<compile_context>
chip_gen: v7x
topology: tpu7x:2x2x1
jax: 0.10.2.dev20260603
libtpu: 0.0.44.dev20260713+nightly
codegen_flags: <defaults>
</compile_context>

<pallas_src>
import functools

import jax
import jax.numpy as jnp
from jax import lax
from jax.experimental import pallas as pl
from jax.experimental.pallas import tpu as pltpu
from jax.experimental.pallas import tpu_sc as plsc

D = 128
B = 4096
NC = 2
NS = 16
L = 16
NW = NC * NS
BPW = B // NW
C = D // L

_mesh = plsc.VectorSubcoreMesh(core_axis_name="c", subcore_axis_name="s")


@functools.partial(
    pl.kernel,
    mesh=_mesh,
    out_type=jax.ShapeDtypeStruct((B,), jnp.float32),
    scratch_types=[
        pltpu.VMEM((3, BPW), jnp.int32),
        pltpu.VMEM((BPW, D), jnp.float32),
        pltpu.VMEM((BPW, D), jnp.float32),
        pltpu.VMEM((BPW, 2 * D), jnp.float32),
        pltpu.VMEM((BPW,), jnp.float32),
        pltpu.SemaphoreType.DMA,
    ],
)
def _transh_sc(idx_hbm, ent_hbm, rn_hbm, out_hbm,
               idx, hbuf, tbuf, rnbuf, outv, sem):
    wid = lax.axis_index("s") * NC + lax.axis_index("c")
    base = wid * BPW

    pltpu.sync_copy(idx_hbm.at[:, pl.ds(base, BPW)], idx)

    cps = (
        pltpu.async_copy(ent_hbm.at[idx.at[0]], hbuf, sem),
        pltpu.async_copy(ent_hbm.at[idx.at[1]], tbuf, sem),
        pltpu.async_copy(rn_hbm.at[idx.at[2]], rnbuf, sem),
    )
    for cp in cps:
        cp.wait()

    lanes = lax.iota(jnp.int32, L)
    dnums = lax.GatherDimensionNumbers(
        offset_dims=(), collapsed_slice_dims=(0,), start_index_map=(0,))

    def permute(v, i):
        return lax.gather(v, i[:, None], dnums, (1,),
                          mode=lax.GatherScatterMode.PROMISE_IN_BOUNDS)

    def allreduce_sum(v):
        for k in (8, 4, 2, 1):
            v = v + permute(v, lanes ^ k)
        return v

    def group(g, carry):
        def one_triple(j, scores):
            i = g * L + j
            dvs = []
            dot = jnp.zeros((L,), jnp.float32)
            for k in range(C):
                hv = hbuf[i, pl.ds(k * L, L)]
                tv = tbuf[i, pl.ds(k * L, L)]
                nv = rnbuf[i, pl.ds(D + k * L, L)]
                d = hv - tv
                dvs.append(d)
                dot = dot + d * nv
            dots = allreduce_sum(dot)
            sacc = jnp.zeros((L,), jnp.float32)
            for k in range(C):
                rv = rnbuf[i, pl.ds(k * L, L)]
                nv = rnbuf[i, pl.ds(D + k * L, L)]
                sacc = sacc + jnp.abs(dvs[k] + rv - dots * nv)
            return jnp.where(lanes == j, allreduce_sum(sacc), scores)

        scores = lax.fori_loop(0, L, one_triple, jnp.zeros((L,), jnp.float32),
                               unroll=2)
        outv[pl.ds(g * L, L)] = scores
        return carry

    lax.fori_loop(0, BPW // L, group, 0)
    pltpu.sync_copy(outv, out_hbm.at[pl.ds(base, BPW)])


def kernel(h, t, r, ent_embeddings, rel_embeddings, normal_vectors):
    idx = jnp.stack(
        [h.astype(jnp.int32), t.astype(jnp.int32), r.astype(jnp.int32)])
    rn = jnp.concatenate([rel_embeddings, normal_vectors], axis=1)
    return _transh_sc(idx, ent_embeddings, rn)

# --- scband reference (transcript-rebuilt; emitter-appended) ---
"""Pipeline reference for scband-trans-h-43344809951898 (READ-ONLY COPY).

The authoritative reference and input builder live on the scoring server;
editing this copy changes nothing except your own understanding.
"""

import jax, jax.numpy as jnp
import numpy as np

E = 100000  # entTotal
R = 1000    # relTotal
D = 128     # hidden_size
B = 4096    # batch of triples


def setup_inputs(seed: int = 0) -> dict:
    key = jax.random.key(seed)
    k1, k2, k3, k4, k5, k6 = jax.random.split(key, 6)
    h = jax.random.randint(k1, (B,), 0, E)
    t = jax.random.randint(k2, (B,), 0, E)
    r = jax.random.randint(k3, (B,), 0, R)
    # xavier(uniform=False) ~ truncated normal with std sqrt(2/(fan_in+fan_out));
    # approximate with scaled normal
    std_e = np.sqrt(2.0 / (E + D)).astype(np.float32)
    std_r = np.sqrt(2.0 / (R + D)).astype(np.float32)
    ent_embeddings = jax.random.normal(k4, (E, D), dtype=jnp.float32) * std_e
    rel_embeddings = jax.random.normal(k5, (R, D), dtype=jnp.float32) * std_r
    normal_vectors = jax.random.normal(k6, (R, D), dtype=jnp.float32) * std_r
    return {
        "h": h,
        "t": t,
        "r": r,
        "ent_embeddings": ent_embeddings,
        "rel_embeddings": rel_embeddings,
        "normal_vectors": normal_vectors,
    }


def reference(h, t, r, ent_embeddings, rel_embeddings, normal_vectors):
    # n = embedding_lookup(normal_vectors, r)
    n = jnp.take(normal_vectors, r, axis=0)  # [B, D]

    def transfer(e):
        # project entity embedding onto relation-specific hyperplane
        return e - jnp.sum(e * n, axis=1, keepdims=True) * n

    h_e = transfer(jnp.take(ent_embeddings, h, axis=0))  # [B, D]
    t_e = transfer(jnp.take(ent_embeddings, t, axis=0))  # [B, D]
    r_e = jnp.take(rel_embeddings, r, axis=0)             # [B, D]
    s = h_e + r_e - t_e                                   # _embeddings output
    # predict_def: sum(abs(s), 1)
    return jnp.sum(jnp.abs(s), axis=1)                    # [B]

if __name__ == "__main__":
    import jax
    _d = setup_inputs()
    print(jax.jit(kernel)(*tuple(_d.values())))

</pallas_src>

<mosaic_0001>
#map = affine_map<(d0, d1) -> (0, 0)>
#map1 = affine_map<(d0, d1) -> (0)>
module attributes {stable_mosaic.version = 14 : i64} {
  func.func @_transh_sc(%arg0: i32, %arg1: i32, %arg2: memref<3x4096xi32, #tpu.memory_space<hbm>>, %arg3: memref<100000x128xf32, #tpu.memory_space<hbm>>, %arg4: memref<1000x256xf32, #tpu.memory_space<hbm>>, %arg5: memref<4096xf32, #tpu.memory_space<hbm>>, %arg6: memref<3x128xi32, #tpu.memory_space<vmem>>, %arg7: memref<128x128xf32, #tpu.memory_space<vmem>>, %arg8: memref<128x128xf32, #tpu.memory_space<vmem>>, %arg9: memref<128x256xf32, #tpu.memory_space<vmem>>, %arg10: memref<128xf32, #tpu.memory_space<vmem>>, %arg11: memref<!tpu.dma_semaphore, #tpu.memory_space<semaphore_mem>>) attributes {dimension_semantics = [#tpu.dimension_semantics<core_parallel>, #tpu.dimension_semantics<subcore_parallel>], iteration_bounds = array<i64: 2, 16>, scalar_prefetch = 0 : i64, scratch_operands = 6 : i64, tpu.core_type = #tpu.core_type<sc_vector_subcore>, window_params = [{transform_indices = #map}, {transform_indices = #map}, {transform_indices = #map}, {transform_indices = #map1}]} {
    %mul3A = arith.constant 2 : i32
    %mul3A_0 = arith.muli %arg1, %mul3A : i32
    %add3A = arith.addi %mul3A_0, %arg0 : i32
    %mul3A_1 = arith.constant 128 : i32
    %mul3A_2 = arith.muli %add3A, %mul3A_1 : i32
    "tpu.region"() ({
      %run_scoped3A = tpu.sem_alloc : memref<!tpu.dma_semaphore, #tpu.memory_space<semaphore_mem>>
      %dma_start3A_48 = arith.constant 0 : i32
      %dma_start3A_49 = tpu.memref_slice %arg2[%dma_start3A_48, %mul3A_2] : memref<3x4096xi32, #tpu.memory_space<hbm>> -> memref<3x128xi32, #tpu.memory_space<hbm>>
      %dma_start3A_50 = arith.constant 0 : i32
      %dma_start3A_51 = tpu.memref_slice %arg2[%dma_start3A_50, %mul3A_2] : memref<3x4096xi32, #tpu.memory_space<hbm>> -> memref<3x128xi32, #tpu.memory_space<hbm>>
      tpu.enqueue_dma source(%dma_start3A_51 : memref<3x128xi32, #tpu.memory_space<hbm>>) target(%arg6 : memref<3x128xi32, #tpu.memory_space<vmem>>) target_semaphore(%run_scoped3A : memref<!tpu.dma_semaphore, #tpu.memory_space<semaphore_mem>>)
      %dma_wait3A_52 = arith.constant 0 : i32
      %dma_wait3A_53 = tpu.memref_slice %arg2[%dma_wait3A_52, %mul3A_2] : memref<3x4096xi32, #tpu.memory_space<hbm>> -> memref<3x128xi32, #tpu.memory_space<hbm>>
      %dma_wait3A_54 = arith.constant 0 : i32
      %dma_wait3A_55 = tpu.memref_slice %arg2[%dma_wait3A_54, %mul3A_2] : memref<3x4096xi32, #tpu.memory_space<hbm>> -> memref<3x128xi32, #tpu.memory_space<hbm>>
      tpu.wait_dma2 semaphore(%run_scoped3A : memref<!tpu.dma_semaphore, #tpu.memory_space<semaphore_mem>>) src(%dma_wait3A_55 : memref<3x128xi32, #tpu.memory_space<hbm>>) dst(%arg6 : memref<3x128xi32, #tpu.memory_space<vmem>>)
      tpu.yield
    }) : () -> ()
    %dma_start3A = arith.constant 0 : i32
    %dma_start3A_3 = arith.constant 0 : i32
    %dma_start3A_4 = tpu.memref_slice %arg6[%dma_start3A, %dma_start3A_3] : memref<3x128xi32, #tpu.memory_space<vmem>> -> memref<1x128xi32, #tpu.memory_space<vmem>>
    %dma_start3A_5 = tpu.memref_squeeze %dma_start3A_4 : memref<1x128xi32, #tpu.memory_space<vmem>> -> memref<128xi32, #tpu.memory_space<vmem>>
    %dma_start3A_6 = arith.constant 0 : i32
    %dma_start3A_7 = arith.constant 0 : i32
    %dma_start3A_8 = tpu.memref_slice %arg3[%dma_start3A_6, %dma_start3A_7] : memref<100000x128xf32, #tpu.memory_space<hbm>> -> memref<100000x128xf32, #tpu.memory_space<hbm>>
    tpu.enqueue_indirect_dma source(%dma_start3A_8 : memref<100000x128xf32, #tpu.memory_space<hbm>>) target(%arg7 : memref<128x128xf32, #tpu.memory_space<vmem>>) offsets(%dma_start3A_5 : memref<128xi32, #tpu.memory_space<vmem>>) semaphore(%arg11 : memref<!tpu.dma_semaphore, #tpu.memory_space<semaphore_mem>>)
    %dma_start3A_9 = arith.constant 1 : i32
    %dma_start3A_10 = arith.constant 0 : i32
    %dma_start3A_11 = tpu.memref_slice %arg6[%dma_start3A_9, %dma_start3A_10] : memref<3x128xi32, #tpu.memory_space<vmem>> -> memref<1x128xi32, #tpu.memory_space<vmem>>
    %dma_start3A_12 = tpu.memref_squeeze %dma_start3A_11 : memref<1x128xi32, #tpu.memory_space<vmem>> -> memref<128xi32, #tpu.memory_space<vmem>>
    %dma_start3A_13 = arith.constant 0 : i32
    %dma_start3A_14 = arith.constant 0 : i32
    %dma_start3A_15 = tpu.memref_slice %arg3[%dma_start3A_13, %dma_start3A_14] : memref<100000x128xf32, #tpu.memory_space<hbm>> -> memref<100000x128xf32, #tpu.memory_space<hbm>>
    tpu.enqueue_indirect_dma source(%dma_start3A_15 : memref<100000x128xf32, #tpu.memory_space<hbm>>) target(%arg8 : memref<128x128xf32, #tpu.memory_space<vmem>>) offsets(%dma_start3A_12 : memref<128xi32, #tpu.memory_space<vmem>>) semaphore(%arg11 : memref<!tpu.dma_semaphore, #tpu.memory_space<semaphore_mem>>)
    %dma_start3A_16 = arith.constant 2 : i32
    %dma_start3A_17 = arith.constant 0 : i32
    %dma_start3A_18 = tpu.memref_slice %arg6[%dma_start3A_16, %dma_start3A_17] : memref<3x128xi32, #tpu.memory_space<vmem>> -> memref<1x128xi32, #tpu.memory_space<vmem>>
    %dma_start3A_19 = tpu.memref_squeeze %dma_start3A_18 : memref<1x128xi32, #tpu.memory_space<vmem>> -> memref<128xi32, #tpu.memory_space<vmem>>
    %dma_start3A_20 = arith.constant 0 : i32
    %dma_start3A_21 = arith.constant 0 : i32
    %dma_start3A_22 = tpu.memref_slice %arg4[%dma_start3A_20, %dma_start3A_21] : memref<1000x256xf32, #tpu.memory_space<hbm>> -> memref<1000x256xf32, #tpu.memory_space<hbm>>
    tpu.enqueue_indirect_dma source(%dma_start3A_22 : memref<1000x256xf32, #tpu.memory_space<hbm>>) target(%arg9 : memref<128x256xf32, #tpu.memory_space<vmem>>) offsets(%dma_start3A_19 : memref<128xi32, #tpu.memory_space<vmem>>) semaphore(%arg11 : memref<!tpu.dma_semaphore, #tpu.memory_space<semaphore_mem>>)
    %dma_wait3A = arith.constant 0 : i32
    %dma_wait3A_23 = arith.constant 0 : i32
    %dma_wait3A_24 = tpu.memref_slice %arg6[%dma_wait3A, %dma_wait3A_23] : memref<3x128xi32, #tpu.memory_space<vmem>> -> memref<1x128xi32, #tpu.memory_space<vmem>>
    %dma_wait3A_25 = tpu.memref_squeeze %dma_wait3A_24 : memref<1x128xi32, #tpu.memory_space<vmem>> -> memref<128xi32, #tpu.memory_space<vmem>>
    %dma_wait3A_26 = arith.constant 0 : i32
    %dma_wait3A_27 = arith.constant 0 : i32
    %dma_wait3A_28 = tpu.memref_slice %arg3[%dma_wait3A_26, %dma_wait3A_27] : memref<100000x128xf32, #tpu.memory_space<hbm>> -> memref<100000x128xf32, #tpu.memory_space<hbm>>
    tpu.wait_indirect_dma semaphore(%arg11 : memref<!tpu.dma_semaphore, #tpu.memory_space<semaphore_mem>>) src(%dma_wait3A_28 : memref<100000x128xf32, #tpu.memory_space<hbm>>) dst(%arg7 : memref<128x128xf32, #tpu.memory_space<vmem>>)
    %dma_wait3A_29 = arith.constant 1 : i32
    %dma_wait3A_30 = arith.constant 0 : i32
    %dma_wait3A_31 = tpu.memref_slice %arg6[%dma_wait3A_29, %dma_wait3A_30] : memref<3x128xi32, #tpu.memory_space<vmem>> -> memref<1x128xi32, #tpu.memory_space<vmem>>
    %dma_wait3A_32 = tpu.memref_squeeze %dma_wait3A_31 : memref<1x128xi32, #tpu.memory_space<vmem>> -> memref<128xi32, #tpu.memory_space<vmem>>
    %dma_wait3A_33 = arith.constant 0 : i32
    %dma_wait3A_34 = arith.constant 0 : i32
    %dma_wait3A_35 = tpu.memref_slice %arg3[%dma_wait3A_33, %dma_wait3A_34] : memref<100000x128xf32, #tpu.memory_space<hbm>> -> memref<100000x128xf32, #tpu.memory_space<hbm>>
    tpu.wait_indirect_dma semaphore(%arg11 : memref<!tpu.dma_semaphore, #tpu.memory_space<semaphore_mem>>) src(%dma_wait3A_35 : memref<100000x128xf32, #tpu.memory_space<hbm>>) dst(%arg8 : memref<128x128xf32, #tpu.memory_space<vmem>>)
    %dma_wait3A_36 = arith.constant 2 : i32
    %dma_wait3A_37 = arith.constant 0 : i32
    %dma_wait3A_38 = tpu.memref_slice %arg6[%dma_wait3A_36, %dma_wait3A_37] : memref<3x128xi32, #tpu.memory_space<vmem>> -> memref<1x128xi32, #tpu.memory_space<vmem>>
    %dma_wait3A_39 = tpu.memref_squeeze %dma_wait3A_38 : memref<1x128xi32, #tpu.memory_space<vmem>> -> memref<128xi32, #tpu.memory_space<vmem>>
    %dma_wait3A_40 = arith.constant 0 : i32
    %dma_wait3A_41 = arith.constant 0 : i32
    %dma_wait3A_42 = tpu.memref_slice %arg4[%dma_wait3A_40, %dma_wait3A_41] : memref<1000x256xf32, #tpu.memory_space<hbm>> -> memref<1000x256xf32, #tpu.memory_space<hbm>>
    tpu.wait_indirect_dma semaphore(%arg11 : memref<!tpu.dma_semaphore, #tpu.memory_space<semaphore_mem>>) src(%dma_wait3A_42 : memref<1000x256xf32, #tpu.memory_space<hbm>>) dst(%arg9 : memref<128x256xf32, #tpu.memory_space<vmem>>)
    %iota3A = tpu.iota {dimensions = array<i32: 0>} : vector<16xi32>
    %scan3A = arith.constant 0 : i32
    %scan3A_43 = arith.constant 0 : i32
    %scan3A_44 = arith.constant 8 : i32
    %scan3A_45 = arith.addi %scan3A_43, %scan3A_44 : i32
    %scan3A_46 = arith.constant 1 : i32
    scf.for %scan3A_48 = %scan3A_43 to %scan3A_45 step %scan3A_46  : i32 {
      %broadcast_in_dim3A = arith.constant 0.000000e+00 : f32
      %broadcast_in_dim3A_49 = vector.broadcast %broadcast_in_dim3A : f32 to vector<16xf32>
      %scan3A_50 = arith.constant 0 : i32
      %scan3A_51 = arith.constant 16 : i32
      %scan3A_52 = arith.addi %scan3A_50, %scan3A_51 : i32
      %scan3A_53 = arith.constant 2 : i32
      %scan3A_54 = scf.for %scan3A_61 = %scan3A_50 to %scan3A_52 step %scan3A_53 iter_args(%scan3A_62 = %broadcast_in_dim3A_49) -> (vector<16xf32>)  : i32 {
        %mul3A_63 = arith.constant 16 : i32
        %mul3A_64 = arith.muli %scan3A_48, %mul3A_63 : i32
        %add3A_65 = arith.addi %mul3A_64, %scan3A_61 : i32
        %broadcast_in_dim3A_66 = arith.constant 0.000000e+00 : f32
        %broadcast_in_dim3A_67 = vector.broadcast %broadcast_in_dim3A_66 : f32 to vector<16xf32>
        %get3A = arith.index_cast %add3A_65 : i32 to index
        %get3A_68 = arith.constant 0 : index
        %get3A_69 = tpu.vector_load %arg7[%get3A, %get3A_68] {strides = array<i32>} : memref<128x128xf32, #tpu.memory_space<vmem>>, vector<1x16xf32>,
        %get3A_70 = vector.shape_cast %get3A_69 : vector<1x16xf32> to vector<16xf32>
        %get3A_71 = arith.index_cast %add3A_65 : i32 to index
        %get3A_72 = arith.constant 0 : index
        %get3A_73 = tpu.vector_load %arg8[%get3A_71, %get3A_72] {strides = array<i32>} : memref<128x128xf32, #tpu.memory_space<vmem>>, vector<1x16xf32>,
        %get3A_74 = vector.shape_cast %get3A_73 : vector<1x16xf32> to vector<16xf32>
        %get3A_75 = arith.index_cast %add3A_65 : i32 to index
        %get3A_76 = arith.constant 128 : index
        %get3A_77 = tpu.vector_load %arg9[%get3A_75, %get3A_76] {strides = array<i32>} : memref<128x256xf32, #tpu.memory_space<vmem>>, vector<1x16xf32>,
        %get3A_78 = vector.shape_cast %get3A_77 : vector<1x16xf32> to vector<16xf32>
        %sub3A = arith.subf %get3A_70, %get3A_74 : vector<16xf32>
        %mul3A_79 = arith.mulf %sub3A, %get3A_78 : vector<16xf32>
        %add3A_80 = arith.addf %broadcast_in_dim3A_67, %mul3A_79 : vector<16xf32>
        %get3A_81 = arith.index_cast %add3A_65 : i32 to index
        %get3A_82 = arith.constant 16 : index
        %get3A_83 = tpu.vector_load %arg7[%get3A_81, %get3A_82] {strides = array<i32>} : memref<128x128xf32, #tpu.memory_space<vmem>>, vector<1x16xf32>,
        %get3A_84 = vector.shape_cast %get3A_83 : vector<1x16xf32> to vector<16xf32>
        %get3A_85 = arith.index_cast %add3A_65 : i32 to index
        %get3A_86 = arith.constant 16 : index
        %get3A_87 = tpu.vector_load %arg8[%get3A_85, %get3A_86] {strides = array<i32>} : memref<128x128xf32, #tpu.memory_space<vmem>>, vector<1x16xf32>,
        %get3A_88 = vector.shape_cast %get3A_87 : vector<1x16xf32> to vector<16xf32>
        %get3A_89 = arith.index_cast %add3A_65 : i32 to index
        %get3A_90 = arith.constant 144 : index
        %get3A_91 = tpu.vector_load %arg9[%get3A_89, %get3A_90] {strides = array<i32>} : memref<128x256xf32, #tpu.memory_space<vmem>>, vector<1x16xf32>,
        %get3A_92 = vector.shape_cast %get3A_91 : vector<1x16xf32> to vector<16xf32>
        %sub3A_93 = arith.subf %get3A_84, %get3A_88 : vector<16xf32>
        %mul3A_94 = arith.mulf %sub3A_93, %get3A_92 : vector<16xf32>
        %add3A_95 = arith.addf %add3A_80, %mul3A_94 : vector<16xf32>
        %get3A_96 = arith.index_cast %add3A_65 : i32 to index
        %get3A_97 = arith.constant 32 : index
        %get3A_98 = tpu.vector_load %arg7[%get3A_96, %get3A_97] {strides = array<i32>} : memref<128x128xf32, #tpu.memory_space<vmem>>, vector<1x16xf32>,
        %get3A_99 = vector.shape_cast %get3A_98 : vector<1x16xf32> to vector<16xf32>
        %get3A_100 = arith.index_cast %add3A_65 : i32 to index
        %get3A_101 = arith.constant 32 : index
        %get3A_102 = tpu.vector_load %arg8[%get3A_100, %get3A_101] {strides = array<i32>} : memref<128x128xf32, #tpu.memory_space<vmem>>, vector<1x16xf32>,
        %get3A_103 = vector.shape_cast %get3A_102 : vector<1x16xf32> to vector<16xf32>
        %get3A_104 = arith.index_cast %add3A_65 : i32 to index
        %get3A_105 = arith.constant 160 : index
        %get3A_106 = tpu.vector_load %arg9[%get3A_104, %get3A_105] {strides = array<i32>} : memref<128x256xf32, #tpu.memory_space<vmem>>, vector<1x16xf32>,
        %get3A_107 = vector.shape_cast %get3A_106 : vector<1x16xf32> to vector<16xf32>
        %sub3A_108 = arith.subf %get3A_99, %get3A_103 : vector<16xf32>
        %mul3A_109 = arith.mulf %sub3A_108, %get3A_107 : vector<16xf32>
        %add3A_110 = arith.addf %add3A_95, %mul3A_109 : vector<16xf32>
        %get3A_111 = arith.index_cast %add3A_65 : i32 to index
        %get3A_112 = arith.constant 48 : index
        %get3A_113 = tpu.vector_load %arg7[%get3A_111, %get3A_112] {strides = array<i32>} : memref<128x128xf32, #tpu.memory_space<vmem>>, vector<1x16xf32>,
        %get3A_114 = vector.shape_cast %get3A_113 : vector<1x16xf32> to vector<16xf32>
        %get3A_115 = arith.index_cast %add3A_65 : i32 to index
        %get3A_116 = arith.constant 48 : index
        %get3A_117 = tpu.vector_load %arg8[%get3A_115, %get3A_116] {strides = array<i32>} : memref<128x128xf32, #tpu.memory_space<vmem>>, vector<1x16xf32>,
        %get3A_118 = vector.shape_cast %get3A_117 : vector<1x16xf32> to vector<16xf32>
        %get3A_119 = arith.index_cast %add3A_65 : i32 to index
        %get3A_120 = arith.constant 176 : index
        %get3A_121 = tpu.vector_load %arg9[%get3A_119, %get3A_120] {strides = array<i32>} : memref<128x256xf32, #tpu.memory_space<vmem>>, vector<1x16xf32>,
        %get3A_122 = vector.shape_cast %get3A_121 : vector<1x16xf32> to vector<16xf32>
        %sub3A_123 = arith.subf %get3A_114, %get3A_118 : vector<16xf32>
        %mul3A_124 = arith.mulf %sub3A_123, %get3A_122 : vector<16xf32>
        %add3A_125 = arith.addf %add3A_110, %mul3A_124 : vector<16xf32>
        %get3A_126 = arith.index_cast %add3A_65 : i32 to index
        %get3A_127 = arith.constant 64 : index
        %get3A_128 = tpu.vector_load %arg7[%get3A_126, %get3A_127] {strides = array<i32>} : memref<128x128xf32, #tpu.memory_space<vmem>>, vector<1x16xf32>,
        %get3A_129 = vector.shape_cast %get3A_128 : vector<1x16xf32> to vector<16xf32>
        %get3A_130 = arith.index_cast %add3A_65 : i32 to index
        %get3A_131 = arith.constant 64 : index
        %get3A_132 = tpu.vector_load %arg8[%get3A_130, %get3A_131] {strides = array<i32>} : memref<128x128xf32, #tpu.memory_space<vmem>>, vector<1x16xf32>,
        %get3A_133 = vector.shape_cast %get3A_132 : vector<1x16xf32> to vector<16xf32>
        %get3A_134 = arith.index_cast %add3A_65 : i32 to index
        %get3A_135 = arith.constant 192 : index
        %get3A_136 = tpu.vector_load %arg9[%get3A_134, %get3A_135] {strides = array<i32>} : memref<128x256xf32, #tpu.memory_space<vmem>>, vector<1x16xf32>,
        %get3A_137 = vector.shape_cast %get3A_136 : vector<1x16xf32> to vector<16xf32>
        %sub3A_138 = arith.subf %get3A_129, %get3A_133 : vector<16xf32>
        %mul3A_139 = arith.mulf %sub3A_138, %get3A_137 : vector<16xf32>
        %add3A_140 = arith.addf %add3A_125, %mul3A_139 : vector<16xf32>
        %get3A_141 = arith.index_cast %add3A_65 : i32 to index
        %get3A_142 = arith.constant 80 : index
        %get3A_143 = tpu.vector_load %arg7[%get3A_141, %get3A_142] {strides = array<i32>} : memref<128x128xf32, #tpu.memory_space<vmem>>, vector<1x16xf32>,
        %get3A_144 = vector.shape_cast %get3A_143 : vector<1x16xf32> to vector<16xf32>
        %get3A_145 = arith.index_cast %add3A_65 : i32 to index
        %get3A_146 = arith.constant 80 : index
        %get3A_147 = tpu.vector_load %arg8[%get3A_145, %get3A_146] {strides = array<i32>} : memref<128x128xf32, #tpu.memory_space<vmem>>, vector<1x16xf32>,
        %get3A_148 = vector.shape_cast %get3A_147 : vector<1x16xf32> to vector<16xf32>
        %get3A_149 = arith.index_cast %add3A_65 : i32 to index
        %get3A_150 = arith.constant 208 : index
        %get3A_151 = tpu.vector_load %arg9[%get3A_149, %get3A_150] {strides = array<i32>} : memref<128x256xf32, #tpu.memory_space<vmem>>, vector<1x16xf32>,
        %get3A_152 = vector.shape_cast %get3A_151 : vector<1x16xf32> to vector<16xf32>
        %sub3A_153 = arith.subf %get3A_144, %get3A_148 : vector<16xf32>
        %mul3A_154 = arith.mulf %sub3A_153, %get3A_152 : vector<16xf32>
        %add3A_155 = arith.addf %add3A_140, %mul3A_154 : vector<16xf32>
        %get3A_156 = arith.index_cast %add3A_65 : i32 to index
        %get3A_157 = arith.constant 96 : index
        %get3A_158 = tpu.vector_load %arg7[%get3A_156, %get3A_157] {strides = array<i32>} : memref<128x128xf32, #tpu.memory_space<vmem>>, vector<1x16xf32>,
        %get3A_159 = vector.shape_cast %get3A_158 : vector<1x16xf32> to vector<16xf32>
        %get3A_160 = arith.index_cast %add3A_65 : i32 to index
        %get3A_161 = arith.constant 96 : index
        %get3A_162 = tpu.vector_load %arg8[%get3A_160, %get3A_161] {strides = array<i32>} : memref<128x128xf32, #tpu.memory_space<vmem>>, vector<1x16xf32>,
        %get3A_163 = vector.shape_cast %get3A_162 : vector<1x16xf32> to vector<16xf32>
        %get3A_164 = arith.index_cast %add3A_65 : i32 to index
        %get3A_165 = arith.constant 224 : index
        %get3A_166 = tpu.vector_load %arg9[%get3A_164, %get3A_165] {strides = array<i32>} : memref<128x256xf32, #tpu.memory_space<vmem>>, vector<1x16xf32>,
        %get3A_167 = vector.shape_cast %get3A_166 : vector<1x16xf32> to vector<16xf32>
        %sub3A_168 = arith.subf %get3A_159, %get3A_163 : vector<16xf32>
        %mul3A_169 = arith.mulf %sub3A_168, %get3A_167 : vector<16xf32>
        %add3A_170 = arith.addf %add3A_155, %mul3A_169 : vector<16xf32>
        %get3A_171 = arith.index_cast %add3A_65 : i32 to index
        %get3A_172 = arith.constant 112 : index
        %get3A_173 = tpu.vector_load %arg7[%get3A_171, %get3A_172] {strides = array<i32>} : memref<128x128xf32, #tpu.memory_space<vmem>>, vector<1x16xf32>,
        %get3A_174 = vector.shape_cast %get3A_173 : vector<1x16xf32> to vector<16xf32>
        %get3A_175 = arith.index_cast %add3A_65 : i32 to index
        %get3A_176 = arith.constant 112 : index
        %get3A_177 = tpu.vector_load %arg8[%get3A_175, %get3A_176] {strides = array<i32>} : memref<128x128xf32, #tpu.memory_space<vmem>>, vector<1x16xf32>,
        %get3A_178 = vector.shape_cast %get3A_177 : vector<1x16xf32> to vector<16xf32>
        %get3A_179 = arith.index_cast %add3A_65 : i32 to index
        %get3A_180 = arith.constant 240 : index
        %get3A_181 = tpu.vector_load %arg9[%get3A_179, %get3A_180] {strides = array<i32>} : memref<128x256xf32, #tpu.memory_space<vmem>>, vector<1x16xf32>,
        %get3A_182 = vector.shape_cast %get3A_181 : vector<1x16xf32> to vector<16xf32>
        %sub3A_183 = arith.subf %get3A_174, %get3A_178 : vector<16xf32>
        %mul3A_184 = arith.mulf %sub3A_183, %get3A_182 : vector<16xf32>
        %add3A_185 = arith.addf %add3A_170, %mul3A_184 : vector<16xf32>
        %xor3A = arith.constant 8 : i32
        %xor3A_186 = vector.broadcast %xor3A : i32 to vector<16xi32>
        %xor3A_187 = arith.xori %iota3A, %xor3A_186 : vector<16xi32>
        %broadcast_in_dim3A_188 = vector.shape_cast %xor3A_187 : vector<16xi32> to vector<16x1xi32>
        %gather3A = vector.shape_cast %broadcast_in_dim3A_188 : vector<16x1xi32> to vector<16xi32>
        %gather3A_189 = tpu.dynamic_gather %add3A_185[%gather3A] in [0] : vector<16xf32>, vector<16xi32> -> vector<16xf32>
        %add3A_190 = arith.addf %add3A_185, %gather3A_189 : vector<16xf32>
        %xor3A_191 = arith.constant 4 : i32
        %xor3A_192 = vector.broadcast %xor3A_191 : i32 to vector<16xi32>
        %xor3A_193 = arith.xori %iota3A, %xor3A_192 : vector<16xi32>
        %broadcast_in_dim3A_194 = vector.shape_cast %xor3A_193 : vector<16xi32> to vector<16x1xi32>
        %gather3A_195 = vector.shape_cast %broadcast_in_dim3A_194 : vector<16x1xi32> to vector<16xi32>
        %gather3A_196 = tpu.dynamic_gather %add3A_190[%gather3A_195] in [0] : vector<16xf32>, vector<16xi32> -> vector<16xf32>
        %add3A_197 = arith.addf %add3A_190, %gather3A_196 : vector<16xf32>
        %xor3A_198 = arith.constant 2 : i32
        %xor3A_199 = vector.broadcast %xor3A_198 : i32 to vector<16xi32>
        %xor3A_200 = arith.xori %iota3A, %xor3A_199 : vector<16xi32>
        %broadcast_in_dim3A_201 = vector.shape_cast %xor3A_200 : vector<16xi32> to vector<16x1xi32>
        %gather3A_202 = vector.shape_cast %broadcast_in_dim3A_201 : vector<16x1xi32> to vector<16xi32>
        %gather3A_203 = tpu.dynamic_gather %add3A_197[%gather3A_202] in [0] : vector<16xf32>, vector<16xi32> -> vector<16xf32>
        %add3A_204 = arith.addf %add3A_197, %gather3A_203 : vector<16xf32>
        %xor3A_205 = arith.constant 1 : i32
        %xor3A_206 = vector.broadcast %xor3A_205 : i32 to vector<16xi32>
        %xor3A_207 = arith.xori %iota3A, %xor3A_206 : vector<16xi32>
        %broadcast_in_dim3A_208 = vector.shape_cast %xor3A_207 : vector<16xi32> to vector<16x1xi32>
        %gather3A_209 = vector.shape_cast %broadcast_in_dim3A_208 : vector<16x1xi32> to vector<16xi32>
        %gather3A_210 = tpu.dynamic_gather %add3A_204[%gather3A_209] in [0] : vector<16xf32>, vector<16xi32> -> vector<16xf32>
        %add3A_211 = arith.addf %add3A_204, %gather3A_210 : vector<16xf32>
        %broadcast_in_dim3A_212 = arith.constant 0.000000e+00 : f32
        %broadcast_in_dim3A_213 = vector.broadcast %broadcast_in_dim3A_212 : f32 to vector<16xf32>
        %get3A_214 = arith.index_cast %add3A_65 : i32 to index
        %get3A_215 = arith.constant 0 : index
        %get3A_216 = tpu.vector_load %arg9[%get3A_214, %get3A_215] {strides = array<i32>} : memref<128x256xf32, #tpu.memory_space<vmem>>, vector<1x16xf32>,
        %get3A_217 = vector.shape_cast %get3A_216 : vector<1x16xf32> to vector<16xf32>
        %get3A_218 = arith.index_cast %add3A_65 : i32 to index
        %get3A_219 = arith.constant 128 : index
        %get3A_220 = tpu.vector_load %arg9[%get3A_218, %get3A_219] {strides = array<i32>} : memref<128x256xf32, #tpu.memory_space<vmem>>, vector<1x16xf32>,
        %get3A_221 = vector.shape_cast %get3A_220 : vector<1x16xf32> to vector<16xf32>
        %add3A_222 = arith.addf %sub3A, %get3A_217 : vector<16xf32>
        %mul3A_223 = arith.mulf %add3A_211, %get3A_221 : vector<16xf32>
        %sub3A_224 = arith.subf %add3A_222, %mul3A_223 : vector<16xf32>
        %abs3A = math.absf %sub3A_224 : vector<16xf32>
        %add3A_225 = arith.addf %broadcast_in_dim3A_213, %abs3A : vector<16xf32>
        %get3A_226 = arith.index_cast %add3A_65 : i32 to index
        %get3A_227 = arith.constant 16 : index
        %get3A_228 = tpu.vector_load %arg9[%get3A_226, %get3A_227] {strides = array<i32>} : memref<128x256xf32, #tpu.memory_space<vmem>>, vector<1x16xf32>,
        %get3A_229 = vector.shape_cast %get3A_228 : vector<1x16xf32> to vector<16xf32>
        %get3A_230 = arith.index_cast %add3A_65 : i32 to index
        %get3A_231 = arith.constant 144 : index
        %get3A_232 = tpu.vector_load %arg9[%get3A_230, %get3A_231] {strides = array<i32>} : memref<128x256xf32, #tpu.memory_space<vmem>>, vector<1x16xf32>,
        %get3A_233 = vector.shape_cast %get3A_232 : vector<1x16xf32> to vector<16xf32>
        %add3A_234 = arith.addf %sub3A_93, %get3A_229 : vector<16xf32>
        %mul3A_235 = arith.mulf %add3A_211, %get3A_233 : vector<16xf32>
        %sub3A_236 = arith.subf %add3A_234, %mul3A_235 : vector<16xf32>
        %abs3A_237 = math.absf %sub3A_236 : vector<16xf32>
        %add3A_238 = arith.addf %add3A_225, %abs3A_237 : vector<16xf32>
        %get3A_239 = arith.index_cast %add3A_65 : i32 to index
        %get3A_240 = arith.constant 32 : index
        %get3A_241 = tpu.vector_load %arg9[%get3A_239, %get3A_240] {strides = array<i32>} : memref<128x256xf32, #tpu.memory_space<vmem>>, vector<1x16xf32>,
        %get3A_242 = vector.shape_cast %get3A_241 : vector<1x16xf32> to vector<16xf32>
        %get3A_243 = arith.index_cast %add3A_65 : i32 to index
        %get3A_244 = arith.constant 160 : index
        %get3A_245 = tpu.vector_load %arg9[%get3A_243, %get3A_244] {strides = array<i32>} : memref<128x256xf32, #tpu.memory_space<vmem>>, vector<1x16xf32>,
        %get3A_246 = vector.shape_cast %get3A_245 : vector<1x16xf32> to vector<16xf32>
        %add3A_247 = arith.addf %sub3A_108, %get3A_242 : vector<16xf32>
        %mul3A_248 = arith.mulf %add3A_211, %get3A_246 : vector<16xf32>
        %sub3A_249 = arith.subf %add3A_247, %mul3A_248 : vector<16xf32>
        %abs3A_250 = math.absf %sub3A_249 : vector<16xf32>
        %add3A_251 = arith.addf %add3A_238, %abs3A_250 : vector<16xf32>
        %get3A_252 = arith.index_cast %add3A_65 : i32 to index
        %get3A_253 = arith.constant 48 : index
        %get3A_254 = tpu.vector_load %arg9[%get3A_252, %get3A_253] {strides = array<i32>} : memref<128x256xf32, #tpu.memory_space<vmem>>, vector<1x16xf32>,
        %get3A_255 = vector.shape_cast %get3A_254 : vector<1x16xf32> to vector<16xf32>
        %get3A_256 = arith.index_cast %add3A_65 : i32 to index
        %get3A_257 = arith.constant 176 : index
        %get3A_258 = tpu.vector_load %arg9[%get3A_256, %get3A_257] {strides = array<i32>} : memref<128x256xf32, #tpu.memory_space<vmem>>, vector<1x16xf32>,
        %get3A_259 = vector.shape_cast %get3A_258 : vector<1x16xf32> to vector<16xf32>
        %add3A_260 = arith.addf %sub3A_123, %get3A_255 : vector<16xf32>
        %mul3A_261 = arith.mulf %add3A_211, %get3A_259 : vector<16xf32>
        %sub3A_262 = arith.subf %add3A_260, %mul3A_261 : vector<16xf32>
        %abs3A_263 = math.absf %sub3A_262 : vector<16xf32>
        %add3A_264 = arith.addf %add3A_251, %abs3A_263 : vector<16xf32>
        %get3A_265 = arith.index_cast %add3A_65 : i32 to index
        %get3A_266 = arith.constant 64 : index
        %get3A_267 = tpu.vector_load %arg9[%get3A_265, %get3A_266] {strides = array<i32>} : memref<128x256xf32, #tpu.memory_space<vmem>>, vector<1x16xf32>,
        %get3A_268 = vector.shape_cast %get3A_267 : vector<1x16xf32> to vector<16xf32>
        %get3A_269 = arith.index_cast %add3A_65 : i32 to index
        %get3A_270 = arith.constant 192 : index
        %get3A_271 = tpu.vector_load %arg9[%get3A_269, %get3A_270] {strides = array<i32>} : memref<128x256xf32, #tpu.memory_space<vmem>>, vector<1x16xf32>,
        %get3A_272 = vector.shape_cast %get3A_271 : vector<1x16xf32> to vector<16xf32>
        %add3A_273 = arith.addf %sub3A_138, %get3A_268 : vector<16xf32>
        %mul3A_274 = arith.mulf %add3A_211, %get3A_272 : vector<16xf32>
        %sub3A_275 = arith.subf %add3A_273, %mul3A_274 : vector<16xf32>
        %abs3A_276 = math.absf %sub3A_275 : vector<16xf32>
        %add3A_277 = arith.addf %add3A_264, %abs3A_276 : vector<16xf32>
        %get3A_278 = arith.index_cast %add3A_65 : i32 to index
        %get3A_279 = arith.constant 80 : index
        %get3A_280 = tpu.vector_load %arg9[%get3A_278, %get3A_279] {strides = array<i32>} : memref<128x256xf32, #tpu.memory_space<vmem>>, vector<1x16xf32>,
        %get3A_281 = vector.shape_cast %get3A_280 : vector<1x16xf32> to vector<16xf32>
        %get3A_282 = arith.index_cast %add3A_65 : i32 to index
        %get3A_283 = arith.constant 208 : index
        %get3A_284 = tpu.vector_load %arg9[%get3A_282, %get3A_283] {strides = array<i32>} : memref<128x256xf32, #tpu.memory_space<vmem>>, vector<1x16xf32>,
        %get3A_285 = vector.shape_cast %get3A_284 : vector<1x16xf32> to vector<16xf32>
        %add3A_286 = arith.addf %sub3A_153, %get3A_281 : vector<16xf32>
        %mul3A_287 = arith.mulf %add3A_211, %get3A_285 : vector<16xf32>
        %sub3A_288 = arith.subf %add3A_286, %mul3A_287 : vector<16xf32>
        %abs3A_289 = math.absf %sub3A_288 : vector<16xf32>
        %add3A_290 = arith.addf %add3A_277, %abs3A_289 : vector<16xf32>
        %get3A_291 = arith.index_cast %add3A_65 : i32 to index
        %get3A_292 = arith.constant 96 : index
        %get3A_293 = tpu.vector_load %arg9[%get3A_291, %get3A_292] {strides = array<i32>} : memref<128x256xf32, #tpu.memory_space<vmem>>, vector<1x16xf32>,
        %get3A_294 = vector.shape_cast %get3A_293 : vector<1x16xf32> to vector<16xf32>
        %get3A_295 = arith.index_cast %add3A_65 : i32 to index
        %get3A_296 = arith.constant 224 : index
        %get3A_297 = tpu.vector_load %arg9[%get3A_295, %get3A_296] {strides = array<i32>} : memref<128x256xf32, #tpu.memory_space<vmem>>, vector<1x16xf32>,
        %get3A_298 = vector.shape_cast %get3A_297 : vector<1x16xf32> to vector<16xf32>
        %add3A_299 = arith.addf %sub3A_168, %get3A_294 : vector<16xf32>
        %mul3A_300 = arith.mulf %add3A_211, %get3A_298 : vector<16xf32>
        %sub3A_301 = arith.subf %add3A_299, %mul3A_300 : vector<16xf32>
        %abs3A_302 = math.absf %sub3A_301 : vector<16xf32>
        %add3A_303 = arith.addf %add3A_290, %abs3A_302 : vector<16xf32>
        %get3A_304 = arith.index_cast %add3A_65 : i32 to index
        %get3A_305 = arith.constant 112 : index
        %get3A_306 = tpu.vector_load %arg9[%get3A_304, %get3A_305] {strides = array<i32>} : memref<128x256xf32, #tpu.memory_space<vmem>>, vector<1x16xf32>,
        %get3A_307 = vector.shape_cast %get3A_306 : vector<1x16xf32> to vector<16xf32>
        %get3A_308 = arith.index_cast %add3A_65 : i32 to index
        %get3A_309 = arith.constant 240 : index
        %get3A_310 = tpu.vector_load %arg9[%get3A_308, %get3A_309] {strides = array<i32>} : memref<128x256xf32, #tpu.memory_space<vmem>>, vector<1x16xf32>,
        %get3A_311 = vector.shape_cast %get3A_310 : vector<1x16xf32> to vector<16xf32>
        %add3A_312 = arith.addf %sub3A_183, %get3A_307 : vector<16xf32>
        %mul3A_313 = arith.mulf %add3A_211, %get3A_311 : vector<16xf32>
        %sub3A_314 = arith.subf %add3A_312, %mul3A_313 : vector<16xf32>
        %abs3A_315 = math.absf %sub3A_314 : vector<16xf32>
        %add3A_316 = arith.addf %add3A_303, %abs3A_315 : vector<16xf32>
        %eq3A = vector.broadcast %scan3A_61 : i32 to vector<16xi32>
        %eq3A_317 = arith.cmpi eq, %iota3A, %eq3A : vector<16xi32>
        %xor3A_318 = arith.constant 8 : i32
        %xor3A_319 = vector.broadcast %xor3A_318 : i32 to vector<16xi32>
        %xor3A_320 = arith.xori %iota3A, %xor3A_319 : vector<16xi32>
        %broadcast_in_dim3A_321 = vector.shape_cast %xor3A_320 : vector<16xi32> to vector<16x1xi32>
        %gather3A_322 = vector.shape_cast %broadcast_in_dim3A_321 : vector<16x1xi32> to vector<16xi32>
        %gather3A_323 = tpu.dynamic_gather %add3A_316[%gather3A_322] in [0] : vector<16xf32>, vector<16xi32> -> vector<16xf32>
        %add3A_324 = arith.addf %add3A_316, %gather3A_323 : vector<16xf32>
        %xor3A_325 = arith.constant 4 : i32
        %xor3A_326 = vector.broadcast %xor3A_325 : i32 to vector<16xi32>
        %xor3A_327 = arith.xori %iota3A, %xor3A_326 : vector<16xi32>
        %broadcast_in_dim3A_328 = vector.shape_cast %xor3A_327 : vector<16xi32> to vector<16x1xi32>
        %gather3A_329 = vector.shape_cast %broadcast_in_dim3A_328 : vector<16x1xi32> to vector<16xi32>
        %gather3A_330 = tpu.dynamic_gather %add3A_324[%gather3A_329] in [0] : vector<16xf32>, vector<16xi32> -> vector<16xf32>
        %add3A_331 = arith.addf %add3A_324, %gather3A_330 : vector<16xf32>
        %xor3A_332 = arith.constant 2 : i32
        %xor3A_333 = vector.broadcast %xor3A_332 : i32 to vector<16xi32>
        %xor3A_334 = arith.xori %iota3A, %xor3A_333 : vector<16xi32>
        %broadcast_in_dim3A_335 = vector.shape_cast %xor3A_334 : vector<16xi32> to vector<16x1xi32>
        %gather3A_336 = vector.shape_cast %broadcast_in_dim3A_335 : vector<16x1xi32> to vector<16xi32>
        %gather3A_337 = tpu.dynamic_gather %add3A_331[%gather3A_336] in [0] : vector<16xf32>, vector<16xi32> -> vector<16xf32>
        %add3A_338 = arith.addf %add3A_331, %gather3A_337 : vector<16xf32>
        %xor3A_339 = arith.constant 1 : i32
        %xor3A_340 = vector.broadcast %xor3A_339 : i32 to vector<16xi32>
        %xor3A_341 = arith.xori %iota3A, %xor3A_340 : vector<16xi32>
        %broadcast_in_dim3A_342 = vector.shape_cast %xor3A_341 : vector<16xi32> to vector<16x1xi32>
        %gather3A_343 = vector.shape_cast %broadcast_in_dim3A_342 : vector<16x1xi32> to vector<16xi32>
        %gather3A_344 = tpu.dynamic_gather %add3A_338[%gather3A_343] in [0] : vector<16xf32>, vector<16xi32> -> vector<16xf32>
        %add3A_345 = arith.addf %add3A_338, %gather3A_344 : vector<16xf32>
        %select_n3A = arith.select %eq3A_317, %add3A_345, %scan3A_62 : vector<16xi1>, vector<16xf32>
        %scan3A_346 = arith.constant 1 : i32
        %scan3A_347 = arith.addi %scan3A_61, %scan3A_346 : i32
        %mul3A_348 = arith.constant 16 : i32
        %mul3A_349 = arith.muli %scan3A_48, %mul3A_348 : i32
        %add3A_350 = arith.addi %mul3A_349, %scan3A_347 : i32
        %broadcast_in_dim3A_351 = arith.constant 0.000000e+00 : f32
        %broadcast_in_dim3A_352 = vector.broadcast %broadcast_in_dim3A_351 : f32 to vector<16xf32>
        %get3A_353 = arith.index_cast %add3A_350 : i32 to index
        %get3A_354 = arith.constant 0 : index
        %get3A_355 = tpu.vector_load %arg7[%get3A_353, %get3A_354] {strides = array<i32>} : memref<128x128xf32, #tpu.memory_space<vmem>>, vector<1x16xf32>,
        %get3A_356 = vector.shape_cast %get3A_355 : vector<1x16xf32> to vector<16xf32>
        %get3A_357 = arith.index_cast %add3A_350 : i32 to index
        %get3A_358 = arith.constant 0 : index
        %get3A_359 = tpu.vector_load %arg8[%get3A_357, %get3A_358] {strides = array<i32>} : memref<128x128xf32, #tpu.memory_space<vmem>>, vector<1x16xf32>,
        %get3A_360 = vector.shape_cast %get3A_359 : vector<1x16xf32> to vector<16xf32>
        %get3A_361 = arith.index_cast %add3A_350 : i32 to index
        %get3A_362 = arith.constant 128 : index
        %get3A_363 = tpu.vector_load %arg9[%get3A_361, %get3A_362] {strides = array<i32>} : memref<128x256xf32, #tpu.memory_space<vmem>>, vector<1x16xf32>,
        %get3A_364 = vector.shape_cast %get3A_363 : vector<1x16xf32> to vector<16xf32>
        %sub3A_365 = arith.subf %get3A_356, %get3A_360 : vector<16xf32>
        %mul3A_366 = arith.mulf %sub3A_365, %get3A_364 : vector<16xf32>
        %add3A_367 = arith.addf %broadcast_in_dim3A_352, %mul3A_366 : vector<16xf32>
        %get3A_368 = arith.index_cast %add3A_350 : i32 to index
        %get3A_369 = arith.constant 16 : index
        %get3A_370 = tpu.vector_load %arg7[%get3A_368, %get3A_369] {strides = array<i32>} : memref<128x128xf32, #tpu.memory_space<vmem>>, vector<1x16xf32>,
        %get3A_371 = vector.shape_cast %get3A_370 : vector<1x16xf32> to vector<16xf32>
        %get3A_372 = arith.index_cast %add3A_350 : i32 to index
        %get3A_373 = arith.constant 16 : index
        %get3A_374 = tpu.vector_load %arg8[%get3A_372, %get3A_373] {strides = array<i32>} : memref<128x128xf32, #tpu.memory_space<vmem>>, vector<1x16xf32>,
        %get3A_375 = vector.shape_cast %get3A_374 : vector<1x16xf32> to vector<16xf32>
        %get3A_376 = arith.index_cast %add3A_350 : i32 to index
        %get3A_377 = arith.constant 144 : index
        %get3A_378 = tpu.vector_load %arg9[%get3A_376, %get3A_377] {strides = array<i32>} : memref<128x256xf32, #tpu.memory_space<vmem>>, vector<1x16xf32>,
        %get3A_379 = vector.shape_cast %get3A_378 : vector<1x16xf32> to vector<16xf32>
        %sub3A_380 = arith.subf %get3A_371, %get3A_375 : vector<16xf32>
        %mul3A_381 = arith.mulf %sub3A_380, %get3A_379 : vector<16xf32>
        %add3A_382 = arith.addf %add3A_367, %mul3A_381 : vector<16xf32>
        %get3A_383 = arith.index_cast %add3A_350 : i32 to index
        %get3A_384 = arith.constant 32 : index
        %get3A_385 = tpu.vector_load %arg7[%get3A_383, %get3A_384] {strides = array<i32>} : memref<128x128xf32, #tpu.memory_space<vmem>>, vector<1x16xf32>,
        %get3A_386 = vector.shape_cast %get3A_385 : vector<1x16xf32> to vector<16xf32>
        %get3A_387 = arith.index_cast %add3A_350 : i32 to index
        %get3A_388 = arith.constant 32 : index
        %get3A_389 = tpu.vector_load %arg8[%get3A_387, %get3A_388] {strides = array<i32>} : memref<128x128xf32, #tpu.memory_space<vmem>>, vector<1x16xf32>,
        %get3A_390 = vector.shape_cast %get3A_389 : vector<1x16xf32> to vector<16xf32>
        %get3A_391 = arith.index_cast %add3A_350 : i32 to index
        %get3A_392 = arith.constant 160 : index
        %get3A_393 = tpu.vector_load %arg9[%get3A_391, %get3A_392] {strides = array<i32>} : memref<128x256xf32, #tpu.memory_space<vmem>>, vector<1x16xf32>,
        %get3A_394 = vector.shape_cast %get3A_393 : vector<1x16xf32> to vector<16xf32>
        %sub3A_395 = arith.subf %get3A_386, %get3A_390 : vector<16xf32>
        %mul3A_396 = arith.mulf %sub3A_395, %get3A_394 : vector<16xf32>
        %add3A_397 = arith.addf %add3A_382, %mul3A_396 : vector<16xf32>
        %get3A_398 = arith.index_cast %add3A_350 : i32 to index
        %get3A_399 = arith.constant 48 : index
        %get3A_400 = tpu.vector_load %arg7[%get3A_398, %get3A_399] {strides = array<i32>} : memref<128x128xf32, #tpu.memory_space<vmem>>, vector<1x16xf32>,
        %get3A_401 = vector.shape_cast %get3A_400 : vector<1x16xf32> to vector<16xf32>
        %get3A_402 = arith.index_cast %add3A_350 : i32 to index
        %get3A_403 = arith.constant 48 : index
        %get3A_404 = tpu.vector_load %arg8[%get3A_402, %get3A_403] {strides = array<i32>} : memref<128x128xf32, #tpu.memory_space<vmem>>, vector<1x16xf32>,
        %get3A_405 = vector.shape_cast %get3A_404 : vector<1x16xf32> to vector<16xf32>
        %get3A_406 = arith.index_cast %add3A_350 : i32 to index
        %get3A_407 = arith.constant 176 : index
        %get3A_408 = tpu.vector_load %arg9[%get3A_406, %get3A_407] {strides = array<i32>} : memref<128x256xf32, #tpu.memory_space<vmem>>, vector<1x16xf32>,
        %get3A_409 = vector.shape_cast %get3A_408 : vector<1x16xf32> to vector<16xf32>
        %sub3A_410 = arith.subf %get3A_401, %get3A_405 : vector<16xf32>
        %mul3A_411 = arith.mulf %sub3A_410, %get3A_409 : vector<16xf32>
        %add3A_412 = arith.addf %add3A_397, %mul3A_411 : vector<16xf32>
        %get3A_413 = arith.index_cast %add3A_350 : i32 to index
        %get3A_414 = arith.constant 64 : index
        %get3A_415 = tpu.vector_load %arg7[%get3A_413, %get3A_414] {strides = array<i32>} : memref<128x128xf32, #tpu.memory_space<vmem>>, vector<1x16xf32>,
        %get3A_416 = vector.shape_cast %get3A_415 : vector<1x16xf32> to vector<16xf32>
        %get3A_417 = arith.index_cast %add3A_350 : i32 to index
        %get3A_418 = arith.constant 64 : index
        %get3A_419 = tpu.vector_load %arg8[%get3A_417, %get3A_418] {strides = array<i32>} : memref<128x128xf32, #tpu.memory_space<vmem>>, vector<1x16xf32>,
        %get3A_420 = vector.shape_cast %get3A_419 : vector<1x16xf32> to vector<16xf32>
        %get3A_421 = arith.index_cast %add3A_350 : i32 to index
        %get3A_422 = arith.constant 192 : index
        %get3A_423 = tpu.vector_load %arg9[%get3A_421, %get3A_422] {strides = array<i32>} : memref<128x256xf32, #tpu.memory_space<vmem>>, vector<1x16xf32>,
        %get3A_424 = vector.shape_cast %get3A_423 : vector<1x16xf32> to vector<16xf32>
        %sub3A_425 = arith.subf %get3A_416, %get3A_420 : vector<16xf32>
        %mul3A_426 = arith.mulf %sub3A_425, %get3A_424 : vector<16xf32>
        %add3A_427 = arith.addf %add3A_412, %mul3A_426 : vector<16xf32>
        %get3A_428 = arith.index_cast %add3A_350 : i32 to index
        %get3A_429 = arith.constant 80 : index
        %get3A_430 = tpu.vector_load %arg7[%get3A_428, %get3A_429] {strides = array<i32>} : memref<128x128xf32, #tpu.memory_space<vmem>>, vector<1x16xf32>,
        %get3A_431 = vector.shape_cast %get3A_430 : vector<1x16xf32> to vector<16xf32>
        %get3A_432 = arith.index_cast %add3A_350 : i32 to index
        %get3A_433 = arith.constant 80 : index
        %get3A_434 = tpu.vector_load %arg8[%get3A_432, %get3A_433] {strides = array<i32>} : memref<128x128xf32, #tpu.memory_space<vmem>>, vector<1x16xf32>,
        %get3A_435 = vector.shape_cast %get3A_434 : vector<1x16xf32> to vector<16xf32>
        %get3A_436 = arith.index_cast %add3A_350 : i32 to index
        %get3A_437 = arith.constant 208 : index
        %get3A_438 = tpu.vector_load %arg9[%get3A_436, %get3A_437] {strides = array<i32>} : memref<128x256xf32, #tpu.memory_space<vmem>>, vector<1x16xf32>,
        %get3A_439 = vector.shape_cast %get3A_438 : vector<1x16xf32> to vector<16xf32>
        %sub3A_440 = arith.subf %get3A_431, %get3A_435 : vector<16xf32>
        %mul3A_441 = arith.mulf %sub3A_440, %get3A_439 : vector<16xf32>
        %add3A_442 = arith.addf %add3A_427, %mul3A_441 : vector<16xf32>
        %get3A_443 = arith.index_cast %add3A_350 : i32 to index
        %get3A_444 = arith.constant 96 : index
        %get3A_445 = tpu.vector_load %arg7[%get3A_443, %get3A_444] {strides = array<i32>} : memref<128x128xf32, #tpu.memory_space<vmem>>, vector<1x16xf32>,
        %get3A_446 = vector.shape_cast %get3A_445 : vector<1x16xf32> to vector<16xf32>
        %get3A_447 = arith.index_cast %add3A_350 : i32 to index
        %get3A_448 = arith.constant 96 : index
        %get3A_449 = tpu.vector_load %arg8[%get3A_447, %get3A_448] {strides = array<i32>} : memref<128x128xf32, #tpu.memory_space<vmem>>, vector<1x16xf32>,
        %get3A_450 = vector.shape_cast %get3A_449 : vector<1x16xf32> to vector<16xf32>
        %get3A_451 = arith.index_cast %add3A_350 : i32 to index
        %get3A_452 = arith.constant 224 : index
        %get3A_453 = tpu.vector_load %arg9[%get3A_451, %get3A_452] {strides = array<i32>} : memref<128x256xf32, #tpu.memory_space<vmem>>, vector<1x16xf32>,
        %get3A_454 = vector.shape_cast %get3A_453 : vector<1x16xf32> to vector<16xf32>
        %sub3A_455 = arith.subf %get3A_446, %get3A_450 : vector<16xf32>
        %mul3A_456 = arith.mulf %sub3A_455, %get3A_454 : vector<16xf32>
        %add3A_457 = arith.addf %add3A_442, %mul3A_456 : vector<16xf32>
        %get3A_458 = arith.index_cast %add3A_350 : i32 to index
        %get3A_459 = arith.constant 112 : index
        %get3A_460 = tpu.vector_load %arg7[%get3A_458, %get3A_459] {strides = array<i32>} : memref<128x128xf32, #tpu.memory_space<vmem>>, vector<1x16xf32>,
        %get3A_461 = vector.shape_cast %get3A_460 : vector<1x16xf32> to vector<16xf32>
        %get3A_462 = arith.index_cast %add3A_350 : i32 to index
        %get3A_463 = arith.constant 112 : index
        %get3A_464 = tpu.vector_load %arg8[%get3A_462, %get3A_463] {strides = array<i32>} : memref<128x128xf32, #tpu.memory_space<vmem>>, vector<1x16xf32>,
        %get3A_465 = vector.shape_cast %get3A_464 : vector<1x16xf32> to vector<16xf32>
        %get3A_466 = arith.index_cast %add3A_350 : i32 to index
        %get3A_467 = arith.constant 240 : index
        %get3A_468 = tpu.vector_load %arg9[%get3A_466, %get3A_467] {strides = array<i32>} : memref<128x256xf32, #tpu.memory_space<vmem>>, vector<1x16xf32>,
        %get3A_469 = vector.shape_cast %get3A_468 : vector<1x16xf32> to vector<16xf32>
        %sub3A_470 = arith.subf %get3A_461, %get3A_465 : vector<16xf32>
        %mul3A_471 = arith.mulf %sub3A_470, %get3A_469 : vector<16xf32>
        %add3A_472 = arith.addf %add3A_457, %mul3A_471 : vector<16xf32>
        %xor3A_473 = arith.constant 8 : i32
        %xor3A_474 = vector.broadcast %xor3A_473 : i32 to vector<16xi32>
        %xor3A_475 = arith.xori %iota3A, %xor3A_474 : vector<16xi32>
        %broadcast_in_dim3A_476 = vector.shape_cast %xor3A_475 : vector<16xi32> to vector<16x1xi32>
        %gather3A_477 = vector.shape_cast %broadcast_in_dim3A_476 : vector<16x1xi32> to vector<16xi32>
        %gather3A_478 = tpu.dynamic_gather %add3A_472[%gather3A_477] in [0] : vector<16xf32>, vector<16xi32> -> vector<16xf32>
        %add3A_479 = arith.addf %add3A_472, %gather3A_478 : vector<16xf32>
        %xor3A_480 = arith.constant 4 : i32
        %xor3A_481 = vector.broadcast %xor3A_480 : i32 to vector<16xi32>
        %xor3A_482 = arith.xori %iota3A, %xor3A_481 : vector<16xi32>
        %broadcast_in_dim3A_483 = vector.shape_cast %xor3A_482 : vector<16xi32> to vector<16x1xi32>
        %gather3A_484 = vector.shape_cast %broadcast_in_dim3A_483 : vector<16x1xi32> to vector<16xi32>
        %gather3A_485 = tpu.dynamic_gather %add3A_479[%gather3A_484] in [0] : vector<16xf32>, vector<16xi32> -> vector<16xf32>
        %add3A_486 = arith.addf %add3A_479, %gather3A_485 : vector<16xf32>
        %xor3A_487 = arith.constant 2 : i32
        %xor3A_488 = vector.broadcast %xor3A_487 : i32 to vector<16xi32>
        %xor3A_489 = arith.xori %iota3A, %xor3A_488 : vector<16xi32>
        %broadcast_in_dim3A_490 = vector.shape_cast %xor3A_489 : vector<16xi32> to vector<16x1xi32>
        %gather3A_491 = vector.shape_cast %broadcast_in_dim3A_490 : vector<16x1xi32> to vector<16xi32>
        %gather3A_492 = tpu.dynamic_gather %add3A_486[%gather3A_491] in [0] : vector<16xf32>, vector<16xi32> -> vector<16xf32>
        %add3A_493 = arith.addf %add3A_486, %gather3A_492 : vector<16xf32>
        %xor3A_494 = arith.constant 1 : i32
        %xor3A_495 = vector.broadcast %xor3A_494 : i32 to vector<16xi32>
        %xor3A_496 = arith.xori %iota3A, %xor3A_495 : vector<16xi32>
        %broadcast_in_dim3A_497 = vector.shape_cast %xor3A_496 : vector<16xi32> to vector<16x1xi32>
        %gather3A_498 = vector.shape_cast %broadcast_in_dim3A_497 : vector<16x1xi32> to vector<16xi32>
        %gather3A_499 = tpu.dynamic_gather %add3A_493[%gather3A_498] in [0] : vector<16xf32>, vector<16xi32> -> vector<16xf32>
        %add3A_500 = arith.addf %add3A_493, %gather3A_499 : vector<16xf32>
        %broadcast_in_dim3A_501 = arith.constant 0.000000e+00 : f32
        %broadcast_in_dim3A_502 = vector.broadcast %broadcast_in_dim3A_501 : f32 to vector<16xf32>
        %get3A_503 = arith.index_cast %add3A_350 : i32 to index
        %get3A_504 = arith.constant 0 : index
        %get3A_505 = tpu.vector_load %arg9[%get3A_503, %get3A_504] {strides = array<i32>} : memref<128x256xf32, #tpu.memory_space<vmem>>, vector<1x16xf32>,
        %get3A_506 = vector.shape_cast %get3A_505 : vector<1x16xf32> to vector<16xf32>
        %get3A_507 = arith.index_cast %add3A_350 : i32 to index
        %get3A_508 = arith.constant 128 : index
        %get3A_509 = tpu.vector_load %arg9[%get3A_507, %get3A_508] {strides = array<i32>} : memref<128x256xf32, #tpu.memory_space<vmem>>, vector<1x16xf32>,
        %get3A_510 = vector.shape_cast %get3A_509 : vector<1x16xf32> to vector<16xf32>
        %add3A_511 = arith.addf %sub3A_365, %get3A_506 : vector<16xf32>
        %mul3A_512 = arith.mulf %add3A_500, %get3A_510 : vector<16xf32>
        %sub3A_513 = arith.subf %add3A_511, %mul3A_512 : vector<16xf32>
        %abs3A_514 = math.absf %sub3A_513 : vector<16xf32>
        %add3A_515 = arith.addf %broadcast_in_dim3A_502, %abs3A_514 : vector<16xf32>
        %get3A_516 = arith.index_cast %add3A_350 : i32 to index
        %get3A_517 = arith.constant 16 : index
        %get3A_518 = tpu.vector_load %arg9[%get3A_516, %get3A_517] {strides = array<i32>} : memref<128x256xf32, #tpu.memory_space<vmem>>, vector<1x16xf32>,
        %get3A_519 = vector.shape_cast %get3A_518 : vector<1x16xf32> to vector<16xf32>
        %get3A_520 = arith.index_cast %add3A_350 : i32 to index
        %get3A_521 = arith.constant 144 : index
        %get3A_522 = tpu.vector_load %arg9[%get3A_520, %get3A_521] {strides = array<i32>} : memref<128x256xf32, #tpu.memory_space<vmem>>, vector<1x16xf32>,
        %get3A_523 = vector.shape_cast %get3A_522 : vector<1x16xf32> to vector<16xf32>
        %add3A_524 = arith.addf %sub3A_380, %get3A_519 : vector<16xf32>
        %mul3A_525 = arith.mulf %add3A_500, %get3A_523 : vector<16xf32>
        %sub3A_526 = arith.subf %add3A_524, %mul3A_525 : vector<16xf32>
        %abs3A_527 = math.absf %sub3A_526 : vector<16xf32>
        %add3A_528 = arith.addf %add3A_515, %abs3A_527 : vector<16xf32>
        %get3A_529 = arith.index_cast %add3A_350 : i32 to index
        %get3A_530 = arith.constant 32 : index
        %get3A_531 = tpu.vector_load %arg9[%get3A_529, %get3A_530] {strides = array<i32>} : memref<128x256xf32, #tpu.memory_space<vmem>>, vector<1x16xf32>,
        %get3A_532 = vector.shape_cast %get3A_531 : vector<1x16xf32> to vector<16xf32>
        %get3A_533 = arith.index_cast %add3A_350 : i32 to index
        %get3A_534 = arith.constant 160 : index
        %get3A_535 = tpu.vector_load %arg9[%get3A_533, %get3A_534] {strides = array<i32>} : memref<128x256xf32, #tpu.memory_space<vmem>>, vector<1x16xf32>,
        %get3A_536 = vector.shape_cast %get3A_535 : vector<1x16xf32> to vector<16xf32>
        %add3A_537 = arith.addf %sub3A_395, %get3A_532 : vector<16xf32>
        %mul3A_538 = arith.mulf %add3A_500, %get3A_536 : vector<16xf32>
        %sub3A_539 = arith.subf %add3A_537, %mul3A_538 : vector<16xf32>
        %abs3A_540 = math.absf %sub3A_539 : vector<16xf32>
        %add3A_541 = arith.addf %add3A_528, %abs3A_540 : vector<16xf32>
        %get3A_542 = arith.index_cast %add3A_350 : i32 to index
        %get3A_543 = arith.constant 48 : index
        %get3A_544 = tpu.vector_load %arg9[%get3A_542, %get3A_543] {strides = array<i32>} : memref<128x256xf32, #tpu.memory_space<vmem>>, vector<1x16xf32>,
        %get3A_545 = vector.shape_cast %get3A_544 : vector<1x16xf32> to vector<16xf32>
        %get3A_546 = arith.index_cast %add3A_350 : i32 to index
        %get3A_547 = arith.constant 176 : index
        %get3A_548 = tpu.vector_load %arg9[%get3A_546, %get3A_547] {strides = array<i32>} : memref<128x256xf32, #tpu.memory_space<vmem>>, vector<1x16xf32>,
        %get3A_549 = vector.shape_cast %get3A_548 : vector<1x16xf32> to vector<16xf32>
        %add3A_550 = arith.addf %sub3A_410, %get3A_545 : vector<16xf32>
        %mul3A_551 = arith.mulf %add3A_500, %get3A_549 : vector<16xf32>
        %sub3A_552 = arith.subf %add3A_550, %mul3A_551 : vector<16xf32>
        %abs3A_553 = math.absf %sub3A_552 : vector<16xf32>
        %add3A_554 = arith.addf %add3A_541, %abs3A_553 : vector<16xf32>
        %get3A_555 = arith.index_cast %add3A_350 : i32 to index
        %get3A_556 = arith.constant 64 : index
        %get3A_557 = tpu.vector_load %arg9[%get3A_555, %get3A_556] {strides = array<i32>} : memref<128x256xf32, #tpu.memory_space<vmem>>, vector<1x16xf32>,
        %get3A_558 = vector.shape_cast %get3A_557 : vector<1x16xf32> to vector<16xf32>
        %get3A_559 = arith.index_cast %add3A_350 : i32 to index
        %get3A_560 = arith.constant 192 : index
        %get3A_561 = tpu.vector_load %arg9[%get3A_559, %get3A_560] {strides = array<i32>} : memref<128x256xf32, #tpu.memory_space<vmem>>, vector<1x16xf32>,
        %get3A_562 = vector.shape_cast %get3A_561 : vector<1x16xf32> to vector<16xf32>
        %add3A_563 = arith.addf %sub3A_425, %get3A_558 : vector<16xf32>
        %mul3A_564 = arith.mulf %add3A_500, %get3A_562 : vector<16xf32>
        %sub3A_565 = arith.subf %add3A_563, %mul3A_564 : vector<16xf32>
        %abs3A_566 = math.absf %sub3A_565 : vector<16xf32>
        %add3A_567 = arith.addf %add3A_554, %abs3A_566 : vector<16xf32>
        %get3A_568 = arith.index_cast %add3A_350 : i32 to index
        %get3A_569 = arith.constant 80 : index
        %get3A_570 = tpu.vector_load %arg9[%get3A_568, %get3A_569] {strides = array<i32>} : memref<128x256xf32, #tpu.memory_space<vmem>>, vector<1x16xf32>,
        %get3A_571 = vector.shape_cast %get3A_570 : vector<1x16xf32> to vector<16xf32>
        %get3A_572 = arith.index_cast %add3A_350 : i32 to index
        %get3A_573 = arith.constant 208 : index
        %get3A_574 = tpu.vector_load %arg9[%get3A_572, %get3A_573] {strides = array<i32>} : memref<128x256xf32, #tpu.memory_space<vmem>>, vector<1x16xf32>,
        %get3A_575 = vector.shape_cast %get3A_574 : vector<1x16xf32> to vector<16xf32>
        %add3A_576 = arith.addf %sub3A_440, %get3A_571 : vector<16xf32>
        %mul3A_577 = arith.mulf %add3A_500, %get3A_575 : vector<16xf32>
        %sub3A_578 = arith.subf %add3A_576, %mul3A_577 : vector<16xf32>
        %abs3A_579 = math.absf %sub3A_578 : vector<16xf32>
        %add3A_580 = arith.addf %add3A_567, %abs3A_579 : vector<16xf32>
        %get3A_581 = arith.index_cast %add3A_350 : i32 to index
        %get3A_582 = arith.constant 96 : index
        %get3A_583 = tpu.vector_load %arg9[%get3A_581, %get3A_582] {strides = array<i32>} : memref<128x256xf32, #tpu.memory_space<vmem>>, vector<1x16xf32>,
        %get3A_584 = vector.shape_cast %get3A_583 : vector<1x16xf32> to vector<16xf32>
        %get3A_585 = arith.index_cast %add3A_350 : i32 to index
        %get3A_586 = arith.constant 224 : index
        %get3A_587 = tpu.vector_load %arg9[%get3A_585, %get3A_586] {strides = array<i32>} : memref<128x256xf32, #tpu.memory_space<vmem>>, vector<1x16xf32>,
        %get3A_588 = vector.shape_cast %get3A_587 : vector<1x16xf32> to vector<16xf32>
        %add3A_589 = arith.addf %sub3A_455, %get3A_584 : vector<16xf32>
        %mul3A_590 = arith.mulf %add3A_500, %get3A_588 : vector<16xf32>
        %sub3A_591 = arith.subf %add3A_589, %mul3A_590 : vector<16xf32>
        %abs3A_592 = math.absf %sub3A_591 : vector<16xf32>
        %add3A_593 = arith.addf %add3A_580, %abs3A_592 : vector<16xf32>
        %get3A_594 = arith.index_cast %add3A_350 : i32 to index
        %get3A_595 = arith.constant 112 : index
        %get3A_596 = tpu.vector_load %arg9[%get3A_594, %get3A_595] {strides = array<i32>} : memref<128x256xf32, #tpu.memory_space<vmem>>, vector<1x16xf32>,
        %get3A_597 = vector.shape_cast %get3A_596 : vector<1x16xf32> to vector<16xf32>
        %get3A_598 = arith.index_cast %add3A_350 : i32 to index
        %get3A_599 = arith.constant 240 : index
        %get3A_600 = tpu.vector_load %arg9[%get3A_598, %get3A_599] {strides = array<i32>} : memref<128x256xf32, #tpu.memory_space<vmem>>, vector<1x16xf32>,
        %get3A_601 = vector.shape_cast %get3A_600 : vector<1x16xf32> to vector<16xf32>
        %add3A_602 = arith.addf %sub3A_470, %get3A_597 : vector<16xf32>
        %mul3A_603 = arith.mulf %add3A_500, %get3A_601 : vector<16xf32>
        %sub3A_604 = arith.subf %add3A_602, %mul3A_603 : vector<16xf32>
        %abs3A_605 = math.absf %sub3A_604 : vector<16xf32>
        %add3A_606 = arith.addf %add3A_593, %abs3A_605 : vector<16xf32>
        %eq3A_607 = vector.broadcast %scan3A_347 : i32 to vector<16xi32>
        %eq3A_608 = arith.cmpi eq, %iota3A, %eq3A_607 : vector<16xi32>
        %xor3A_609 = arith.constant 8 : i32
        %xor3A_610 = vector.broadcast %xor3A_609 : i32 to vector<16xi32>
        %xor3A_611 = arith.xori %iota3A, %xor3A_610 : vector<16xi32>
        %broadcast_in_dim3A_612 = vector.shape_cast %xor3A_611 : vector<16xi32> to vector<16x1xi32>
        %gather3A_613 = vector.shape_cast %broadcast_in_dim3A_612 : vector<16x1xi32> to vector<16xi32>
        %gather3A_614 = tpu.dynamic_gather %add3A_606[%gather3A_613] in [0] : vector<16xf32>, vector<16xi32> -> vector<16xf32>
        %add3A_615 = arith.addf %add3A_606, %gather3A_614 : vector<16xf32>
        %xor3A_616 = arith.constant 4 : i32
        %xor3A_617 = vector.broadcast %xor3A_616 : i32 to vector<16xi32>
        %xor3A_618 = arith.xori %iota3A, %xor3A_617 : vector<16xi32>
        %broadcast_in_dim3A_619 = vector.shape_cast %xor3A_618 : vector<16xi32> to vector<16x1xi32>
        %gather3A_620 = vector.shape_cast %broadcast_in_dim3A_619 : vector<16x1xi32> to vector<16xi32>
        %gather3A_621 = tpu.dynamic_gather %add3A_615[%gather3A_620] in [0] : vector<16xf32>, vector<16xi32> -> vector<16xf32>
        %add3A_622 = arith.addf %add3A_615, %gather3A_621 : vector<16xf32>
        %xor3A_623 = arith.constant 2 : i32
        %xor3A_624 = vector.broadcast %xor3A_623 : i32 to vector<16xi32>
        %xor3A_625 = arith.xori %iota3A, %xor3A_624 : vector<16xi32>
        %broadcast_in_dim3A_626 = vector.shape_cast %xor3A_625 : vector<16xi32> to vector<16x1xi32>
        %gather3A_627 = vector.shape_cast %broadcast_in_dim3A_626 : vector<16x1xi32> to vector<16xi32>
        %gather3A_628 = tpu.dynamic_gather %add3A_622[%gather3A_627] in [0] : vector<16xf32>, vector<16xi32> -> vector<16xf32>
        %add3A_629 = arith.addf %add3A_622, %gather3A_628 : vector<16xf32>
        %xor3A_630 = arith.constant 1 : i32
        %xor3A_631 = vector.broadcast %xor3A_630 : i32 to vector<16xi32>
        %xor3A_632 = arith.xori %iota3A, %xor3A_631 : vector<16xi32>
        %broadcast_in_dim3A_633 = vector.shape_cast %xor3A_632 : vector<16xi32> to vector<16x1xi32>
        %gather3A_634 = vector.shape_cast %broadcast_in_dim3A_633 : vector<16x1xi32> to vector<16xi32>
        %gather3A_635 = tpu.dynamic_gather %add3A_629[%gather3A_634] in [0] : vector<16xf32>, vector<16xi32> -> vector<16xf32>
        %add3A_636 = arith.addf %add3A_629, %gather3A_635 : vector<16xf32>
        %select_n3A_637 = arith.select %eq3A_608, %add3A_636, %select_n3A : vector<16xi1>, vector<16xf32>
        scf.yield %select_n3A_637 : vector<16xf32>
      }
      %scan3A_55 = arith.constant 16 : i32
      %mul3A_56 = arith.constant 16 : i32
      %mul3A_57 = arith.muli %scan3A_48, %mul3A_56 : i32
      %swap3A = arith.index_cast %mul3A_57 : i32 to index
      %swap3A_58 = tpu.vector_load %arg10[%swap3A] {strides = array<i32>} : memref<128xf32, #tpu.memory_space<vmem>>, vector<16xf32>,
      %swap3A_59 = vector.shape_cast %swap3A_58 : vector<16xf32> to vector<16xf32>
      %swap3A_60 = vector.shape_cast %scan3A_54 : vector<16xf32> to vector<16xf32>
      tpu.vector_store %arg10[%swap3A], %swap3A_60 {strides = array<i32>} : memref<128xf32, #tpu.memory_space<vmem>>, vector<16xf32>,
    }
    %scan3A_47 = arith.constant 8 : i32
    "tpu.region"() ({
      %run_scoped3A = tpu.sem_alloc : memref<!tpu.dma_semaphore, #tpu.memory_space<semaphore_mem>>
      %dma_start3A_48 = tpu.memref_slice %arg5[%mul3A_2] : memref<4096xf32, #tpu.memory_space<hbm>> -> memref<128xf32, #tpu.memory_space<hbm>>
      %dma_start3A_49 = tpu.memref_slice %arg5[%mul3A_2] : memref<4096xf32, #tpu.memory_space<hbm>> -> memref<128xf32, #tpu.memory_space<hbm>>
      tpu.enqueue_dma source(%arg10 : memref<128xf32, #tpu.memory_space<vmem>>) target(%dma_start3A_49 : memref<128xf32, #tpu.memory_space<hbm>>) target_semaphore(%run_scoped3A : memref<!tpu.dma_semaphore, #tpu.memory_space<semaphore_mem>>)
      %dma_wait3A_50 = tpu.memref_slice %arg5[%mul3A_2] : memref<4096xf32, #tpu.memory_space<hbm>> -> memref<128xf32, #tpu.memory_space<hbm>>
      %dma_wait3A_51 = tpu.memref_slice %arg5[%mul3A_2] : memref<4096xf32, #tpu.memory_space<hbm>> -> memref<128xf32, #tpu.memory_space<hbm>>
      tpu.wait_dma2 semaphore(%run_scoped3A : memref<!tpu.dma_semaphore, #tpu.memory_space<semaphore_mem>>) src(%arg10 : memref<128xf32, #tpu.memory_space<vmem>>) dst(%dma_wait3A_51 : memref<128xf32, #tpu.memory_space<hbm>>)
      tpu.yield
    }) : () -> ()
    return
  }
}

</mosaic_0001>

<sc_bundles>
// kernel: kernel.3.cloned.1.call-start
scs
__scs_entry_jumppad:
0x0: {  	(pc) =	sbr.rel $0x88, $3  }
0x1: {  	(tag) =	ssettag $0x0;
	lr =	simm.s32 $0x1  }
0x2: {  	[smem:$0x3F9B] =	sst lr;
	_ =	strace $0xD0000000  }
0x3: {  	_ = 	snop  }
0x4: {  	_ = 	snop  }
0x5: {  	_ = 	snop  }
0x6: {  	_ = 	snop  }
0x7: {  	_ = 	snop  }
__scs_overlays_trampoline_lowered:
0x8: {  	[smem:$0x3FAA] =	sst s0  }
0x9: {  	[smem:$0x3FAB] =	sst s1  }
0xa: {  	[smem:$0x3FAC] =	sst s2  }
0xb: {  	[smem:$0x3FAD] =	sst s3  }
0xc: {  	[smem:$0x3FAE] =	sst s4  }
0xd: {  	[smem:$0x3FAF] =	sst s5  }
0xe: {  	[smem:$0x3FB0] =	sst s6  }
0xf: {  	[smem:$0x3FB1] =	sst s7  }
0x10: {  	[smem:$0x3FB2] =	sst s8  }
0x11: {  	[smem:$0x3FB3] =	sst s9;
	s0 =	simm.s32 @!p0 $0x0  }
0x12: {  	s1 =	sld [smem:$0x3F99];
	s0 =	simm.s32 @p0 $0x1  }
0x13: {  	[smem:$0x3FB4] =	sst s0;
	s0 =	simm.s32 @!p1 $0x0  }
0x14: {  	s2 =	sld [smem:$0x3F98];
	s0 =	simm.s32 @p1 $0x1  }
0x15: {  	[smem:$0x3FB5] =	sst s0;
	s0 =	simm.s32 @!p2 $0x0  }
0x16: {  	s3 =	sld [smem:$0x3FDB];
	s0 =	simm.s32 @p2 $0x1  }
0x17: {  	s4 =	simm.s32 $0x1BF5;
	[smem:$0x3FB7] =	sst s0  }
0x18: {  	s0 =	sld [smem:$0x3F9A];
	_ =	swait.ge [sflag:s4], $0x0  }
0x19: {  	s7 =	sld [smem:$0x3F9B]  }
0x1a: {  	s8 =	sadd.s32 $0xFFFFE003, lr  }
0x1b: {  	s9 =	sadd.s32 $0xFFFFFEF7, lr;
	s5 =	simm.s32 $0xFFFFFFFF;
	p2 =	slt.u32 s8, $0xFFFFF086  }
0x1c: {  	p1 =	slt.u32 s9, $0xF7A;
	s5 =	simm.s32 @!p2 $0x0  }
0x1d: {  	s5 =	simm.s32 @p1 $0x1;
	p0 =	seq.s32 s7, s2  }
0x1e: {  	s7 =	smul.u32 @!p0 $0xF7A, s2;
	p2 =	seq.s32 @!p0 s5, $0x0  }
0x1f: {  	s9 =	smul.u32 $0xF7A, s1;
	s8 =	simm.s32 @!p0 $0x1BF5;
	p2 =	por !p2, p0  }
0x20: {  	[sflag:s8] =	ssyncset.s32 @!p0 $0xFFFFF086;
	s6 =	sadd.s32 @!p0 s3, s7;
	s7 =	simm.s32 @!p0 $0x108  }
0x21: {  	s3 =	sadd.s32 s3, s9;
	s6 =	sadd.s32 @!p0 $0x88, s6;
	s7 =	simm.s32 @p2 $0x1082  }
0x22: {  	[simem:s7], [sflag:s8] =	dma.local @!p0 [hbm:s6], $0xF7A  }
0x23: {  	s9 =	sor.u32 $0xD0000000, s2;
	s6 =	simm.s32 $0x108;
	_ =	swait.ge @!p0 [sflag:s8], $0x0  }
0x24: {  	s3 =	sadd.s32 $0x88, s3;
	s6 =	simm.s32 @!p1 $0x1082;
	[sflag:s4] =	ssyncset.s32 $0xFFFFF086  }
0x25: {  	[simem:s6], [sflag:s4] =	dma.local [hbm:s3], $0xF7A  }
0x26: {  	[smem:$0x3F9B] =	sst s1;
	(tag) =	ssettag s2;
	_ =	strace s9  }
0x27: {  	s1 =	sld [smem:$0x3FAB]  }
0x28: {  	s2 =	sld [smem:$0x3FAC]  }
0x29: {  	s4 =	sld [smem:$0x3FAE]  }
0x2a: {  	p0 =	seq.s32 s5, $0x0;
	s5 =	sld [smem:$0x3FAF]  }
0x2b: {  	s6 =	sld [smem:$0x3FB0]  }
0x2c: {  	s7 =	sld [smem:$0x3FB1]  }
0x2d: {  	s3 =	simm.s32 $0x108;
	s8 =	sld [smem:$0x3FB2]  }
0x2e: {  	s3 =	simm.s32 @!p0 $0x1082;
	s9 =	sld [smem:$0x3FB3]  }
0x2f: {  	lr =	sadd.s32 s0, s3;
	s0 =	sld [smem:$0x3FAA]  }
0x30: {  	s3 =	sld [smem:$0x3FAD]  }
0x31: {  	[smem:$0x3FB6] =	sst s10  }
0x32: {  	s10 =	sld [smem:$0x3FB4];
	_ =	sdelay $0x3  }
0x33: {  	p0 =	seq.s32 s10, $0x1;
	s10 =	sld [smem:$0x3FB6];
	_ =	sdelay $0x3  }
0x34: {  	[smem:$0x3FB6] =	sst s10  }
0x35: {  	s10 =	sld [smem:$0x3FB5];
	_ =	sdelay $0x3  }
0x36: {  	p1 =	seq.s32 s10, $0x1;
	s10 =	sld [smem:$0x3FB6];
	_ =	sdelay $0x3  }
0x37: {  	[smem:$0x3FB6] =	sst s10  }
0x38: {  	s10 =	sld [smem:$0x3FB7]  }
0x39: {  	_ = 	snop;
	(pc) =	sbr.ind lr, $3  }
0x3a: {  	_ = 	snop  }
0x3b: {  	_ = 	snop  }
0x3c: {  	p2 =	seq.s32 s10, $0x1;
	s10 =	sld [smem:$0x3FB6]  }
0x3d: {  	_ =	shalt  }
0x3e: {  	_ =	shalt  }
0x3f: {  	_ =	shalt  }
0x40: {  	_ =	shalt  }
0x41: {  	_ =	shalt  }
0x42: {  	_ =	shalt  }
0x43: {  	_ =	shalt  }
0x44: {  	_ =	shalt  }
0x45: {  	_ =	shalt  }
0x46: {  	_ =	shalt  }
0x47: {  	_ =	shalt  }
0x48: {  	_ =	shalt  }
0x49: {  	_ =	shalt  }
0x4a: {  	_ =	shalt  }
0x4b: {  	_ =	shalt  }
0x4c: {  	_ =	shalt  }
0x4d: {  	_ =	shalt  }
0x4e: {  	_ =	shalt  }
0x4f: {  	_ =	shalt  }
0x50: {  	_ =	shalt  }
0x51: {  	_ =	shalt  }
0x52: {  	_ =	shalt  }
0x53: {  	_ =	shalt  }
0x54: {  	_ =	shalt  }
0x55: {  	_ =	shalt  }
0x56: {  	_ =	shalt  }
0x57: {  	_ =	shalt  }
0x58: {  	_ =	shalt  }
0x59: {  	_ =	shalt  }
0x5a: {  	_ =	shalt  }
0x5b: {  	_ =	shalt  }
0x5c: {  	_ =	shalt  }
0x5d: {  	_ =	shalt  }
0x5e: {  	_ =	shalt  }
0x5f: {  	_ =	shalt  }
0x60: {  	_ =	shalt  }
0x61: {  	_ =	shalt  }
0x62: {  	_ =	shalt  }
0x63: {  	_ =	shalt  }
0x64: {  	_ =	shalt  }
0x65: {  	_ =	shalt  }
0x66: {  	_ =	shalt  }
0x67: {  	_ =	shalt  }
0x68: {  	_ =	shalt  }
0x69: {  	_ =	shalt  }
0x6a: {  	_ =	shalt  }
0x6b: {  	_ =	shalt  }
0x6c: {  	_ =	shalt  }
0x6d: {  	_ =	shalt  }
0x6e: {  	_ =	shalt  }
0x6f: {  	_ =	shalt  }
0x70: {  	_ =	shalt  }
0x71: {  	_ =	shalt  }
0x72: {  	_ =	shalt  }
0x73: {  	_ =	shalt  }
0x74: {  	_ =	shalt  }
0x75: {  	_ =	shalt  }
0x76: {  	_ =	shalt  }
0x77: {  	_ =	shalt  }
0x78: {  	_ =	shalt  }
0x79: {  	_ =	shalt  }
0x7a: {  	_ =	shalt  }
0x7b: {  	_ =	shalt  }
0x7c: {  	_ =	shalt  }
0x7d: {  	_ =	shalt  }
0x7e: {  	_ =	shalt  }
0x7f: {  	_ =	shalt  }
0x80: {  	_ =	shalt  }
0x81: {  	_ =	shalt  }
0x82: {  	_ =	shalt  }
0x83: {  	_ =	shalt  }
0x84: {  	_ =	shalt  }
0x85: {  	_ =	shalt  }
0x86: {  	_ =	shalt  }
0x87: {  	_ =	shalt  }
.Lfunc_end0:
.L_simem_size_0:
called_computation_lowered:
.L_overlay_start_0:
0x88: {  	s2 =	sld [smem:$0x3FD9]  }
0x89: {  	s3 =	sld [smem:$0x3FFE];
	_ =	sdelay $0x1  }
0x8a: {  	s1 =	srdreg.scid  }
0x8b: {  	s0 =	sand.u32 $0x1, s1  }
0x8c: {  	s17 =	sshll.u32 s0, $0xA;
	s2 =	sadd.s32 s3, s2  }
0x8d: {  	s2 =	sadd.s32 s2, s17  }
0x8e: {  	[smem:$0x3FC2] =	sst s2  }
0x8f: {  	_ = 	snop  }
0x90: {  	s2 =	sld [smem:$0x3FC6]  }
0x91: {  	s18 =	sld [smem:$0x3FD0];
	(tm) =	ssettm $0x1  }
0x92: {  	s4 =	sld [smem:$0x3FFB];
	_ =	sdelay $0x3  }
0x93: {  	_ =	strace s4  }
0x94: {  	s4 =	sld [smem:$0x3FFC];
	_ =	sdelay $0x3  }
0x95: {  	_ =	strace s4  }
0x96: {  	s4 =	sld [smem:$0x3FFD];
	_ =	sdelay $0x3  }
0x97: {  	_ =	strace s4  }
0x98: {  	_ =	strace $0x8FFFFFFF  }
0x99: {  	s19 =	sld [smem:$0x3FDB];
	_ =	sdelay $0x1  }
0x9a: {  	s5 =	simm.s32 $_scs_section_size  }
0x9b: {  	s6 =	simm.s32 $_size__tile_overlayer_lowered;
	s7 =	simm.s32 $_tile_overlayer_lowered  }
0x9c: {  	s22 =	simm.s32 $0x1BFF;
	s21 =	sshll.u32 s7, $0x1;
	s4 =	sadd.s32 s5, s19  }
0x9d: {  	s8 =	simm.s32 $0x0;
	s20 =	sshll.u32 s6, $0x1;
	s6 =	sadd.s32 s21, s4  }
0x9e: {  	[timem:s8], [sflag:s22] =	dma.local [hbm:s6], s20  }
0x9f: {  	_ =	swait.ge [sflag:s22], s20  }
0xa0: {  	s5 =	ssub.s32 $0x0, s20;
	[sflag:s22] =	ssyncset.done $0x0  }
0xa1: {  	[sflag:s22] =	ssyncadd.s32 s5;
	_ =	sdelay $0x1  }
0xa2: {  	s23 =	simm.s32 $0x1B8B  }
0xa3: {  	_ =	swait.ge [sflag:s23], $0x1  }
0xa4: {  	[sflag:s23] =	ssyncset.done $0x0  }
0xa5: {  	s25 =	simm.s32 $0x1B8E;
	s24 =	sld [smem:$0x3FFE];
	[sflag:s23] =	ssyncadd.s32 $0xFFFFFFFF  }
0xa6: {  	s26 =	simm.s32 $execute0_lowered;
	[smem:$0x3FD2] =	sst s25  }
0xa7: {  	s6 =	sshll.u32 s26, $0x1;
	_ =	strace $0x80000046;
	[dreg:$0x1] =	wrdreg $0xFFFFFFFF  }
0xa8: {  	s28 =	simm.s32 $_size_execute0_lowered;
	s4 =	sadd.s32 s4, s6;
	[dreg:$0x0] =	wrdreg $0x0  }
0xa9: {  	s6 =	sshll.u32 s28, $0x1;
	[dreg:$0x2] =	wrdreg s4  }
0xaa: {  	[dreg:$0x3] =	wrdreg s6  }
0xab: {  	[dreg:$0x4] =	wrdreg $0xC0  }
0xac: {  	_ =	task [dreg:s8], $0x5FFFF  }
0xad: {  	[dreg:$0x1] =	wrdreg $0xFFFFFFFF  }
0xae: {  	[dreg:$0x0] =	wrdreg $0x60  }
0xaf: {  	[dreg:$0x2] =	wrdreg s24  }
0xb0: {  	[dreg:$0x3] =	wrdreg s2  }
0xb1: {  	[dreg:$0x4] =	wrdreg s18  }
0xb2: {  	[dreg:$0x5] =	wrdreg $0x9  }
0xb3: {  	_ =	task.clear_ibuf [dreg:s8], $0x6FFFF;
	_ =	strace $0x90000046  }
0xb4: {  	s29 =	simm.s32 $0x9;
	_ =	strace $0x80000048  }
0xb5: {  	_ =	swait.ge [sflag:s29], $0x1  }
0xb6: {  	[sflag:s29] =	ssyncadd.s32 $0xFFFFFFFF  }
0xb7: {  	_ =	strace $0x90000048  }
0xb8: {  	_ =	sfence  }
0xb9: {  	s30 =	sld [smem:$0x0];
	_ =	sdelay $0x2  }
0xba: {  	s31 =	sshll.u32 s1, $0xD;
	s1 =	sshrl.u32 s1, $0x2  }
0xbb: {  	s3 =	sand.u32 $0x4000, s31;
	s1 =	sadd.s32 s1, s30  }
0xbc: {  	s0 =	sor.u32 s3, s0;
	s1 =	sshll.u32 s1, $0x11  }
0xbd: {  	s0 =	sor.u32 s1, s0  }
0xbe: {  	s0 =	sadd.s32 $0x8F2B, s0  }
0xbf: {  	[sflag:s0] =	ssyncadd.remote.s32 $0x1  }
0xc0: {  	_ =	sfence.sel $0xFFFF  }
0xc1: {  	[dreg:$0x0] =	wrdreg $0xFFFFFFFF;
	(pc) =	sbr.abs _section_cstart, $3  }
0xc2: {  	[dreg:$0x1] =	wrdreg $0xFFFFFFFF  }
0xc3: {  	_ =	task.clear_ibuf [dreg:s8], $0x2FFFF;
	_ =	strace $0x9FFFFFFF  }
0xc4: {  	(tm) =	ssettm $0x7FFFFFFF  }
0xc5: {  	_ =	shalt  }
tec
execute0_lowered:
.L_overlay_start_1:
0x0: {  	(tag) =	ssettag $0x1  }
0x1: {  	v0 =	vimm.s32 $0xBA98FEDC;
	v1 =	vimm.s32 $0x32107654  }
0x2: {  	s0 =	rddreg [dreg:$0x0];
	v2 =	vunpack.c.l.s4.s8 v0;
	v3 =	vunpack.c.l.s4.s8 v1  }
0x3: {  	s1 =	rddreg [dreg:$0x1];
	v5 =	vimm.s32 $0xFEDCBA98;
	v8 =	vimm.s32 $0x67452301  }
0x4: {  	s2 =	rddreg [dreg:$0x2];
	v5 =	vunpack.c.l.s4.s8 v5;
	v2 =	vunpack.c.0.s8.s32 v2;
	v3 =	vunpack.c.0.s8.s32 v3  }
0x5: {  	s3 =	simm.s32 $0x0;
	s4 =	srdreg.scid;
	s5 =	stileid.u32;
	v4 =	vimm.s32 $0x76543210;
	v6 =	vimm.s32 $0xDCFE98BA;
	v8 =	vunpack.c.l.s4.s8 v8  }
0x6: {  	s10 =	simm.s32 $0x2;
	s23 =	simm.s32 $0xD200;
	s24 =	simm.s32 $0xDA00;
	v4 =	vunpack.c.l.s4.s8 v4;
	v5 =	vunpack.c.0.s8.s32 v5;
	v7 =	vcombine.low v3, v2  }
0x7: {  	s11 =	simm.s32 $0x80;
	s28 =	simm.s32 $0xF200;
	s29 =	simm.s32 $0xFA00;
	v2 =	vunpack.c.l.s4.s8 v6;
	v3 =	vimm.s32 $0x54761032;
	v6 =	vimm.s32 $0xEFCDAB89  }
0x8: {  	s30 =	simm.s32 $0x1;
	s31 =	simm.s32 $0x10200;
	[smem:$0x7FF] =	sst s3;
	v3 =	vunpack.c.l.s4.s8 v3;
	v6 =	vunpack.c.l.s4.s8 v6  }
0x9: {  	s4 =	sand.u32 $0x1, s4;
	s5 =	sshll.u32 s5, $0x1;
	_ =	strace $0x80000047;
	v8 =	vunpack.c.0.s8.s32 v8;
	v4 =	vunpack.c.0.s8.s32 v4;
	v5 =	vand.u32 $0xF, v5  }
0xa: {  	s5 =	sor.u32 s4, s5;
	s6 =	ssub.s32 $0x2, s4;
	s4 =	sadd.s32 $0x400, s0;
	v2 =	vunpack.c.0.s8.s32 v2;
	v3 =	vunpack.c.0.s8.s32 v3;
	v6 =	vunpack.c.0.s8.s32 v6  }
0xb: {  	vm0 =	vmmov $0xffff;
	v0 =	vlaneseq.u32;
	s7 =	sshll.u32 s5, $0x6;
	s8 =	sshrl.u32 s6, $0x1;
	s26 =	sshll.u32 s5, $0x4;
	v4 =	vcombine.low v5, v4  }
0xc: {  	v1 =	vand.u32 $0x7, v0;
	s0 =	sadd.s32 s7, s0;
	s25 =	ssub.s32 s6, s8;
	s6 =	sadd.s32 s2, s26;
	v9 =	vcombine.low v3, v2;
	v8 =	vcombine.low v8, v6  }
0xd: {  	s8 =	simm.s32 $0x200;
	s26 =	simm.s32 $0xEA00;
	s5 =	sadd.s32 $0x8200, s0;
	v5 =	vand.u32 $0xF, v7;
	v2 =	vshrl.u32 v0, $0x3;
	v3 =	vor.u32 $0x8, v0  }
0xe: {  	s7 =	smax.u32 s25, $0x1;
	s25 =	simm.s32 $0xE200;
	s0 =	simm.s32 $0x0;
	v2 =	vmul.u32 $0x8, v2;
	v6 =	vand.u32 $0xF, v9;
	v7 =	vand.u32 $0xF, v8  }
.LBB2_1:
0xf: {  	s2 =	simm.s32 $0x4000  }
0x10: {  	[tilespmem:s3], [sflag:$0x2] =	stream.strided.gather [hbm4b:s5+s8], $0x0, s2, s8, $0x38;
	[tilespmem:$0x10280] =	vst v63  }
0x11: {  	_ = 	snop  }
0x12: {  	[tilespmem:s3], [sflag:$0x2] =	stream.linear.gather [hbm4b:s5+s3], $0x180, $0x38;
	[tilespmem:$0x10280] =	vst v63  }
0x13: {  	_ =	swait.ge [sflag:s10], $0x180  }
0x14: {  	[sflag:s10] =	ssyncset.done $0x0  }
0x15: {  	[sflag:s10] =	ssyncadd.s32 $0xFFFFFE80  }
0x16: {  	[tilespmem:s8], [sflag:$0x1] =	stream.indirect.gather [hbm4b:s1+s11], $0x80, s3, s11, $0xb8;
	[tilespmem:$0x10280] =	vst v63  }
0x17: {  	s12 =	simm.s32 $0x4200  }
0x18: {  	[tilespmem:s12], [sflag:$0x1] =	stream.indirect.gather [hbm4b:s1+s11], $0x80, s11, s11, $0xb8;
	[tilespmem:$0x10280] =	vst v63  }
0x19: {  	v8 =	vld [tilespmem:$0x100];
	_ =	sdelay $0x4  }
0x1a: {  	v9 =	vshll.u32 v8, $0x1  }
0x1b: {  	v8 =	vand.u32 $0x7, v8;
	v9 =	vand.u32 $0xFFFFFFF0, v9  }
0x1c: {  	v8 =	vor.u32 v8, v9  }
0x1d: {  	v9 =	vperm.xlane v8, v1;
	_ =	sdelay $0x1  }
0x1e: {  	v8 =	vperm.xlane v8, v3;
	v9 =	vadd.s32 v2, v9;
	_ =	sdelay $0x1  }
0x1f: {  	v8 =	vadd.s32 v2, v8;
	_ =	sdelay $0x1  }
0x20: {  	s13 =	simm.s32 $0x8200  }
0x21: {  	[tilespmem:s13], [sflag:$0x1] =	stream.indirect_vreg.gather [hbm4b:s4+s3], $0x80, v9, vm0, $0xb8;
	[tilespmem:$0x10280] =	vst v63  }
0x22: {  	s14 =	simm.s32 $0x8A00  }
0x23: {  	[tilespmem:s14], [sflag:$0x1] =	stream.indirect_vreg.gather [hbm4b:s4+s3], $0x80, v8, vm0, $0xb8;
	[tilespmem:$0x10280] =	vst v63  }
0x24: {  	v8 =	vld [tilespmem:$0x110];
	_ =	sdelay $0x4  }
0x25: {  	v57 =	vshll.u32 v8, $0x1  }
0x26: {  	v8 =	vand.u32 $0x7, v8;
	v9 =	vand.u32 $0xFFFFFFF0, v57  }
0x27: {  	v8 =	vor.u32 v8, v9  }
0x28: {  	v9 =	vperm.xlane v8, v1;
	_ =	sdelay $0x1  }
0x29: {  	v8 =	vperm.xlane v8, v3;
	v9 =	vadd.s32 v2, v9;
	_ =	sdelay $0x1  }
0x2a: {  	v8 =	vadd.s32 v2, v8;
	_ =	sdelay $0x1  }
0x2b: {  	s15 =	simm.s32 $0x9200  }
0x2c: {  	[tilespmem:s15], [sflag:$0x1] =	stream.indirect_vreg.gather [hbm4b:s4+s3], $0x80, v9, vm0, $0xb8;
	[tilespmem:$0x10280] =	vst v63  }
0x2d: {  	s16 =	simm.s32 $0x9A00  }
0x2e: {  	[tilespmem:s16], [sflag:$0x1] =	stream.indirect_vreg.gather [hbm4b:s4+s3], $0x80, v8, vm0, $0xb8;
	[tilespmem:$0x10280] =	vst v63  }
0x2f: {  	v8 =	vld [tilespmem:$0x120];
	_ =	sdelay $0x4  }
0x30: {  	v58 =	vshll.u32 v8, $0x1  }
0x31: {  	v8 =	vand.u32 $0x7, v8;
	v9 =	vand.u32 $0xFFFFFFF0, v58  }
0x32: {  	v8 =	vor.u32 v8, v9  }
0x33: {  	v9 =	vperm.xlane v8, v1;
	_ =	sdelay $0x1  }
0x34: {  	v8 =	vperm.xlane v8, v3;
	v9 =	vadd.s32 v2, v9;
	_ =	sdelay $0x1  }
0x35: {  	v8 =	vadd.s32 v2, v8;
	_ =	sdelay $0x1  }
0x36: {  	s17 =	simm.s32 $0xA200  }
0x37: {  	[tilespmem:s17], [sflag:$0x1] =	stream.indirect_vreg.gather [hbm4b:s4+s3], $0x80, v9, vm0, $0xb8;
	[tilespmem:$0x10280] =	vst v63  }
0x38: {  	s18 =	simm.s32 $0xAA00  }
0x39: {  	[tilespmem:s18], [sflag:$0x1] =	stream.indirect_vreg.gather [hbm4b:s4+s3], $0x80, v8, vm0, $0xb8;
	[tilespmem:$0x10280] =	vst v63  }
0x3a: {  	v8 =	vld [tilespmem:$0x130];
	_ =	sdelay $0x4  }
0x3b: {  	v59 =	vshll.u32 v8, $0x1  }
0x3c: {  	v8 =	vand.u32 $0x7, v8;
	v9 =	vand.u32 $0xFFFFFFF0, v59  }
0x3d: {  	v8 =	vor.u32 v8, v9  }
0x3e: {  	v9 =	vperm.xlane v8, v1;
	_ =	sdelay $0x1  }
0x3f: {  	v8 =	vperm.xlane v8, v3;
	v9 =	vadd.s32 v2, v9;
	_ =	sdelay $0x1  }
0x40: {  	v8 =	vadd.s32 v2, v8;
	_ =	sdelay $0x1  }
0x41: {  	s19 =	simm.s32 $0xB200  }
0x42: {  	[tilespmem:s19], [sflag:$0x1] =	stream.indirect_vreg.gather [hbm4b:s4+s3], $0x80, v9, vm0, $0xb8;
	[tilespmem:$0x10280] =	vst v63  }
0x43: {  	s20 =	simm.s32 $0xBA00  }
0x44: {  	[tilespmem:s20], [sflag:$0x1] =	stream.indirect_vreg.gather [hbm4b:s4+s3], $0x80, v8, vm0, $0xb8;
	[tilespmem:$0x10280] =	vst v63  }
0x45: {  	v8 =	vld [tilespmem:$0x140];
	_ =	sdelay $0x4  }
0x46: {  	v60 =	vshll.u32 v8, $0x1  }
0x47: {  	v8 =	vand.u32 $0x7, v8;
	v9 =	vand.u32 $0xFFFFFFF0, v60  }
0x48: {  	v8 =	vor.u32 v8, v9  }
0x49: {  	v9 =	vperm.xlane v8, v1;
	_ =	sdelay $0x1  }
0x4a: {  	v8 =	vperm.xlane v8, v3;
	v9 =	vadd.s32 v2, v9;
	_ =	sdelay $0x1  }
0x4b: {  	v8 =	vadd.s32 v2, v8;
	_ =	sdelay $0x1  }
0x4c: {  	s21 =	simm.s32 $0xC200  }
0x4d: {  	[tilespmem:s21], [sflag:$0x1] =	stream.indirect_vreg.gather [hbm4b:s4+s3], $0x80, v9, vm0, $0xb8;
	[tilespmem:$0x10280] =	vst v63  }
0x4e: {  	s22 =	simm.s32 $0xCA00  }
0x4f: {  	[tilespmem:s22], [sflag:$0x1] =	stream.indirect_vreg.gather [hbm4b:s4+s3], $0x80, v8, vm0, $0xb8;
	[tilespmem:$0x10280] =	vst v63  }
0x50: {  	v8 =	vld [tilespmem:$0x150];
	_ =	sdelay $0x4  }
0x51: {  	v61 =	vshll.u32 v8, $0x1  }
0x52: {  	v8 =	vand.u32 $0x7, v8;
	v9 =	vand.u32 $0xFFFFFFF0, v61  }
0x53: {  	v8 =	vor.u32 v8, v9  }
0x54: {  	v9 =	vperm.xlane v8, v1;
	_ =	sdelay $0x1  }
0x55: {  	v8 =	vperm.xlane v8, v3;
	v9 =	vadd.s32 v2, v9;
	_ =	sdelay $0x1  }
0x56: {  	v8 =	vadd.s32 v2, v8;
	_ =	sdelay $0x2  }
0x57: {  	[tilespmem:s23], [sflag:$0x1] =	stream.indirect_vreg.gather [hbm4b:s4+s3], $0x80, v9, vm0, $0xb8;
	[tilespmem:$0x10280] =	vst v63  }
0x58: {  	_ = 	snop  }
0x59: {  	[tilespmem:s24], [sflag:$0x1] =	stream.indirect_vreg.gather [hbm4b:s4+s3], $0x80, v8, vm0, $0xb8;
	[tilespmem:$0x10280] =	vst v63  }
0x5a: {  	v8 =	vld [tilespmem:$0x160];
	_ =	sdelay $0x4  }
0x5b: {  	v62 =	vshll.u32 v8, $0x1  }
0x5c: {  	v8 =	vand.u32 $0x7, v8;
	v9 =	vand.u32 $0xFFFFFFF0, v62  }
0x5d: {  	v8 =	vor.u32 v8, v9  }
0x5e: {  	v9 =	vperm.xlane v8, v1;
	_ =	sdelay $0x1  }
0x5f: {  	v8 =	vperm.xlane v8, v3;
	v9 =	vadd.s32 v2, v9;
	_ =	sdelay $0x1  }
0x60: {  	v8 =	vadd.s32 v2, v8;
	_ =	sdelay $0x2  }
0x61: {  	[tilespmem:s25], [sflag:$0x1] =	stream.indirect_vreg.gather [hbm4b:s4+s3], $0x80, v9, vm0, $0xb8;
	[tilespmem:$0x10280] =	vst v63  }
0x62: {  	_ = 	snop  }
0x63: {  	[tilespmem:s26], [sflag:$0x1] =	stream.indirect_vreg.gather [hbm4b:s4+s3], $0x80, v8, vm0, $0xb8;
	[tilespmem:$0x10280] =	vst v63  }
0x64: {  	v8 =	vld [tilespmem:$0x170];
	_ =	sdelay $0x4  }
0x65: {  	v63 =	vshll.u32 v8, $0x1  }
0x66: {  	v8 =	vand.u32 $0x7, v8;
	v9 =	vand.u32 $0xFFFFFFF0, v63  }
0x67: {  	v8 =	vor.u32 v8, v9  }
0x68: {  	v9 =	vperm.xlane v8, v1;
	_ =	sdelay $0x1  }
0x69: {  	v8 =	vperm.xlane v8, v3;
	v9 =	vadd.s32 v2, v9;
	_ =	sdelay $0x1  }
0x6a: {  	v8 =	vadd.s32 v2, v8;
	_ =	sdelay $0x2  }
0x6b: {  	[tilespmem:s28], [sflag:$0x1] =	stream.indirect_vreg.gather [hbm4b:s4+s3], $0x80, v9, vm0, $0xb8;
	[tilespmem:$0x10280] =	vst v63  }
0x6c: {  	_ = 	snop  }
0x6d: {  	[tilespmem:s29], [sflag:$0x1] =	stream.indirect_vreg.gather [hbm4b:s4+s3], $0x80, v8, vm0, $0xb8;
	[tilespmem:$0x10280] =	vst v63  }
0x6e: {  	_ =	swait.ge [sflag:s30], $0x4000  }
0x6f: {  	[sflag:s30] =	ssyncset.done $0x0  }
0x70: {  	[sflag:s30] =	ssyncadd.s32 $0xFFFFC000  }
0x71: {  	_ =	swait.ge [sflag:s30], $0x4000  }
0x72: {  	[sflag:s30] =	ssyncset.done $0x0  }
0x73: {  	[sflag:s30] =	ssyncadd.s32 $0xFFFFC000  }
0x74: {  	_ =	swait.ge [sflag:s30], $0x8000  }
0x75: {  	s9 =	simm.s32 $0x280;
	s2 =	simm.s32 $0x4280;
	[sflag:s30] =	ssyncset.done $0x0  }
0x76: {  	s12 =	simm.s32 $0x0;
	s13 =	simm.s32 $0x0;
	[sflag:s30] =	ssyncadd.s32 $0xFFFF8000  }
.LBB2_2:
0x77: {  	v12 =	vld [tilespmem:s9+$0x70]  }
0x78: {  	v14 =	vld [tilespmem:s2+$0x70]  }
0x79: {  	v9 =	vld [tilespmem:s9+$0xFFFFFFF0]  }
0x7a: {  	v11 =	vld [tilespmem:s2+$0xFFFFFFF0]  }
0x7b: {  	v13 =	vld [tilespmem:s9+$0x60]  }
0x7c: {  	v19 =	vld [tilespmem:s2+$0x60]  }
0x7d: {  	v8 =	vld [tilespmem:s9+$0xFFFFFFE0]  }
0x7e: {  	v20 =	vld [tilespmem:s2+$0xFFFFFFE0]  }
0x7f: {  	v21 =	vld [tilespmem:s9+$0x50]  }
0x80: {  	v22 =	vld [tilespmem:s2+$0x50]  }
0x81: {  	v23 =	vld [tilespmem:s9+$0xFFFFFFD0]  }
0x82: {  	v24 =	vld [tilespmem:s2+$0xFFFFFFD0]  }
0x83: {  	v25 =	vld [tilespmem:s9+$0x40]  }
0x84: {  	v26 =	vld [tilespmem:s2+$0x40]  }
0x85: {  	v27 =	vld [tilespmem:s9+$0xFFFFFFC0]  }
0x86: {  	v28 =	vld [tilespmem:s2+$0xFFFFFFC0]  }
0x87: {  	v29 =	vld [tilespmem:s9+$0x30]  }
0x88: {  	v30 =	vld [tilespmem:s2+$0x30]  }
0x89: {  	v18 =	vld [tilespmem:s9+$0xFFFFFFB0]  }
0x8a: {  	v31 =	vld [tilespmem:s2+$0xFFFFFFB0]  }
0x8b: {  	v32 =	vld [tilespmem:s9+$0x20]  }
0x8c: {  	v33 =	vld [tilespmem:s2+$0x20]  }
0x8d: {  	v17 =	vld [tilespmem:s9+$0xFFFFFFA0]  }
0x8e: {  	v34 =	vld [tilespmem:s2+$0xFFFFFFA0]  }
0x8f: {  	v35 =	vld [tilespmem:s9+$0x10]  }
0x90: {  	v36 =	vld [tilespmem:s2+$0x10]  }
0x91: {  	v15 =	vld [tilespmem:s9+$0xFFFFFF90]  }
0x92: {  	v37 =	vld [tilespmem:s2+$0xFFFFFF90]  }
0x93: {  	s15 =	simm.s32 $0x0;
	v10 =	vld [tilespmem:s9+$0xFFFFFF80]  }
0x94: {  	v38 =	vld [tilespmem:s2+$0xFFFFFF80];
	s14 =	sand.u32 $0x7800, s12;
	s16 =	sand.u32 $0x300, s15  }
0x95: {  	v39 =	vld [tilespmem:s9+$0x0];
	s18 =	sor.u32 s16, s14  }
0x96: {  	s17 =	sadd.s32 $0x100, s12;
	s19 =	simm.s32 $0x80;
	v16 =	vld [tilespmem:s18+$0x8600]  }
0x97: {  	v40 =	vld [tilespmem:s2+$0x0];
	s14 =	sand.u32 $0x7800, s17;
	s16 =	sand.u32 $0x380, s19  }
0x98: {  	v41 =	vld [tilespmem:s18+$0x8610];
	s17 =	sor.u32 s16, s14  }
0x99: {  	v38 =	vsub.f32 v10, v38;
	v10 =	vld [tilespmem:s17+$0x8600]  }
0x9a: {  	v42 =	vld [tilespmem:s18+$0x8620]  }
0x9b: {  	v37 =	vsub.f32 v15, v37;
	v15 =	vld [tilespmem:s17+$0x8610];
	v43 =	vmul.f32 v16, v38  }
0x9c: {  	v44 =	vld [tilespmem:s18+$0x8630];
	v39 =	vsub.f32 v39, v40  }
0x9d: {  	v34 =	vsub.f32 v17, v34;
	v17 =	vld [tilespmem:s17+$0x8620];
	v51 =	vmul.f32 v41, v37;
	v50 =	vadd.f32 $0.0e+00, v43  }
0x9e: {  	v45 =	vld [tilespmem:s18+$0x8640];
	v35 =	vsub.f32 v35, v36;
	v46 =	vmul.f32 v10, v39  }
0x9f: {  	v31 =	vsub.f32 v18, v31;
	v18 =	vld [tilespmem:s17+$0x8630];
	v53 =	vmul.f32 v42, v34;
	v52 =	vadd.f32 v51, v50  }
0xa0: {  	v32 =	vsub.f32 v32, v33;
	v33 =	vld [tilespmem:s18+$0x8650];
	v55 =	vmul.f32 v15, v35;
	v54 =	vadd.f32 $0.0e+00, v46  }
0xa1: {  	v27 =	vsub.f32 v27, v28;
	v40 =	vld [tilespmem:s17+$0x8640];
	v56 =	vmul.f32 v44, v31;
	v28 =	vadd.f32 v53, v52  }
0xa2: {  	v29 =	vsub.f32 v29, v30;
	v30 =	vld [tilespmem:s18+$0x8660];
	v57 =	vmul.f32 v17, v32;
	v43 =	vadd.f32 v55, v54  }
0xa3: {  	v23 =	vsub.f32 v23, v24;
	v36 =	vld [tilespmem:s17+$0x8650];
	v24 =	vadd.f32 v56, v28;
	v28 =	vmul.f32 v45, v27  }
0xa4: {  	v25 =	vsub.f32 v25, v26;
	v26 =	vld [tilespmem:s18+$0x8670];
	v58 =	vmul.f32 v18, v29;
	v43 =	vadd.f32 v57, v43  }
0xa5: {  	v47 =	vld [tilespmem:s17+$0x8660];
	v20 =	vsub.f32 v8, v20;
	v24 =	vadd.f32 v28, v24;
	v28 =	vmul.f32 v33, v23  }
0xa6: {  	v63 =	vld [tilespmem:s18+$0x8240];
	v21 =	vsub.f32 v21, v22;
	v59 =	vmul.f32 v40, v25;
	v22 =	vadd.f32 v58, v43  }
0xa7: {  	s14 =	sadd.s32 $0x100, s9;
	v48 =	vld [tilespmem:s17+$0x8670];
	v46 =	vsub.f32 v9, v11;
	v24 =	vadd.f32 v28, v24;
	v28 =	vmul.f32 v30, v20  }
0xa8: {  	s16 =	sadd.s32 $0x100, s2;
	v8 =	vld [tilespmem:s14+$0x70];
	v19 =	vsub.f32 v13, v19;
	v60 =	vmul.f32 v36, v21;
	v22 =	vadd.f32 v59, v22  }
0xa9: {  	v13 =	vld [tilespmem:s16+$0xFFFFFFF0];
	v24 =	vadd.f32 v28, v24;
	v28 =	vmul.f32 v26, v46  }
0xaa: {  	v49 =	vsub.f32 v12, v14;
	v12 =	vld [tilespmem:s14+$0x60];
	v61 =	vmul.f32 v47, v19;
	v22 =	vadd.f32 v60, v22  }
0xab: {  	v14 =	vld [tilespmem:s16+$0x60];
	v24 =	vadd.f32 v28, v24  }
0xac: {  	v9 =	vld [tilespmem:s16+$0x70];
	v22 =	vadd.f32 v61, v22;
	v28 =	vmul.f32 v48, v49  }
0xad: {  	v54 =	vld [tilespmem:s18+$0x8230];
	v62 =	vperm.xlane v24, v4  }
0xae: {  	v11 =	vld [tilespmem:s14+$0xFFFFFFF0];
	v22 =	vadd.f32 v28, v22  }
0xaf: {  	v50 =	vld [tilespmem:s18+$0x8270];
	v24 =	vadd.f32 v24, v62  }
0xb0: {  	v51 =	vld [tilespmem:s18+$0x8260];
	v52 =	vperm.xlane v22, v4  }
0xb1: {  	v55 =	vld [tilespmem:s18+$0x8220];
	v53 =	vperm.xlane v24, v5  }
0xb2: {  	v31 =	vadd.f32 v54, v31;
	v54 =	vld [tilespmem:s17+$0x8240];
	v22 =	vadd.f32 v22, v52  }
0xb3: {  	v28 =	vld [tilespmem:s18+$0x8250];
	v24 =	vadd.f32 v24, v53  }
0xb4: {  	v60 =	vld [tilespmem:s18+$0x8210];
	v56 =	vperm.xlane v22, v5  }
0xb5: {  	v20 =	vadd.f32 v51, v20;
	v51 =	vld [tilespmem:s17+$0x8260];
	v57 =	vperm.xlane v24, v6  }
0xb6: {  	v59 =	vld [tilespmem:s17+$0x8230];
	v22 =	vadd.f32 v22, v56  }
0xb7: {  	v27 =	vadd.f32 v63, v27;
	v61 =	vld [tilespmem:s17+$0x8270];
	v24 =	vadd.f32 v24, v57  }
0xb8: {  	v34 =	vadd.f32 v55, v34;
	v23 =	vadd.f32 v28, v23;
	v28 =	vld [tilespmem:s17+$0x8250];
	v62 =	vperm.xlane v22, v6  }
0xb9: {  	v46 =	vadd.f32 v50, v46;
	v37 =	vadd.f32 v60, v37;
	v60 =	vld [tilespmem:s17+$0x8220];
	v63 =	vperm.xlane v24, v7  }
0xba: {  	v58 =	vld [tilespmem:s16+$0x40];
	v25 =	vadd.f32 v54, v25;
	v22 =	vadd.f32 v22, v62  }
0xbb: {  	v19 =	vadd.f32 v51, v19;
	v52 =	vld [tilespmem:s18+$0x8200];
	v24 =	vadd.f32 v24, v63  }
0xbc: {  	v29 =	vadd.f32 v59, v29;
	v49 =	vadd.f32 v61, v49;
	v62 =	vld [tilespmem:s17+$0x8200];
	v61 =	vperm.xlane v22, v7  }
0xbd: {  	v55 =	vld [tilespmem:s14+$0xFFFFFFE0];
	v21 =	vadd.f32 v28, v21;
	v28 =	vmul.f32 v24, v30;
	v26 =	vmul.f32 v24, v26  }
0xbe: {  	v32 =	vadd.f32 v60, v32;
	v30 =	vld [tilespmem:s17+$0x8210];
	v45 =	vmul.f32 v24, v45;
	v33 =	vmul.f32 v24, v33  }
0xbf: {  	v50 =	vld [tilespmem:s16+$0x50];
	v42 =	vmul.f32 v24, v42;
	v44 =	vmul.f32 v24, v44;
	v22 =	vadd.f32 v22, v61  }
0xc0: {  	v51 =	vld [tilespmem:s16+$0xFFFFFFE0];
	v38 =	vadd.f32 v52, v38;
	v16 =	vmul.f32 v24, v16;
	v24 =	vmul.f32 v24, v41  }
0xc1: {  	v59 =	vld [tilespmem:s14+$0xFFFFFFC0];
	v39 =	vadd.f32 v62, v39;
	v43 =	vmul.f32 v22, v47;
	v47 =	vmul.f32 v22, v48  }
0xc2: {  	v60 =	vld [tilespmem:s16+$0xFFFFFFC0];
	v63 =	vmul.f32 v22, v40;
	v36 =	vmul.f32 v22, v36;
	v34 =	vsub.f32 v34, v42  }
0xc3: {  	v52 =	vld [tilespmem:s14+$0x50];
	v10 =	vmul.f32 v22, v10;
	v15 =	vmul.f32 v22, v15;
	v30 =	vadd.f32 v30, v35  }
0xc4: {  	v57 =	vld [tilespmem:s14+$0x40];
	v16 =	vsub.f32 v38, v16;
	v24 =	vsub.f32 v37, v24;
	v17 =	vmul.f32 v22, v17  }
0xc5: {  	v41 =	vld [tilespmem:s14+$0xFFFFFFD0];
	v18 =	vmul.f32 v22, v18;
	v10 =	vsub.f32 v39, v10;
	v15 =	vsub.f32 v30, v15  }
0xc6: {  	v61 =	vld [tilespmem:s16+$0x30];
	v16 =	vand.u32 $0x7FFFFFFF, v16;
	v22 =	vand.u32 $0x7FFFFFFF, v24;
	v17 =	vsub.f32 v32, v17  }
0xc7: {  	v62 =	vld [tilespmem:s14+$0xFFFFFFB0];
	v16 =	vadd.f32 v22, v16;
	v10 =	vand.u32 $0x7FFFFFFF, v10;
	v15 =	vand.u32 $0x7FFFFFFF, v15  }
0xc8: {  	v48 =	vld [tilespmem:s16+$0xFFFFFFD0];
	v22 =	vand.u32 $0x7FFFFFFF, v34;
	v30 =	vsub.f32 v31, v44;
	v10 =	vadd.f32 v15, v10  }
0xc9: {  	v38 =	vld [tilespmem:s14+$0xFFFFFF90];
	v15 =	vadd.f32 v22, v16;
	v16 =	vand.u32 $0x7FFFFFFF, v17;
	v17 =	vsub.f32 v29, v18  }
0xca: {  	v40 =	vld [tilespmem:s14+$0x0];
	v18 =	vand.u32 $0x7FFFFFFF, v30;
	v22 =	vsub.f32 v27, v45;
	v10 =	vadd.f32 v16, v10  }
0xcb: {  	v24 =	vld [tilespmem:s14+$0x30];
	v15 =	vadd.f32 v18, v15;
	v16 =	vand.u32 $0x7FFFFFFF, v17;
	v17 =	vsub.f32 v25, v63  }
0xcc: {  	v39 =	vld [tilespmem:s16+$0xFFFFFF90];
	v18 =	vand.u32 $0x7FFFFFFF, v22;
	v22 =	vsub.f32 v23, v33;
	v10 =	vadd.f32 v16, v10  }
0xcd: {  	v34 =	vld [tilespmem:s14+$0xFFFFFFA0];
	v15 =	vadd.f32 v18, v15;
	v16 =	vand.u32 $0x7FFFFFFF, v17;
	v17 =	vsub.f32 v21, v36  }
0xce: {  	v20 =	vsub.f32 v20, v28;
	v35 =	vld [tilespmem:s16+$0x10];
	v18 =	vand.u32 $0x7FFFFFFF, v22;
	v10 =	vadd.f32 v16, v10  }
0xcf: {  	v31 =	vld [tilespmem:s16+$0x20];
	v15 =	vadd.f32 v18, v15;
	v16 =	vand.u32 $0x7FFFFFFF, v17;
	v17 =	vsub.f32 v19, v43  }
0xd0: {  	v29 =	vld [tilespmem:s16+$0xFFFFFFB0];
	v18 =	vand.u32 $0x7FFFFFFF, v20;
	v19 =	vsub.f32 v46, v26;
	v10 =	vadd.f32 v16, v10  }
0xd1: {  	v30 =	vld [tilespmem:s14+$0x20];
	v15 =	vadd.f32 v18, v15;
	v16 =	vand.u32 $0x7FFFFFFF, v17;
	v17 =	vsub.f32 v49, v47  }
0xd2: {  	v33 =	vld [tilespmem:s14+$0x10];
	v18 =	vand.u32 $0x7FFFFFFF, v19;
	v16 =	vadd.f32 v16, v10  }
0xd3: {  	s18 =	simm.s32 $0x100;
	s17 =	sadd.s32 $0x200, s12;
	v63 =	vld [tilespmem:s16+$0xFFFFFF80];
	v23 =	vsub.f32 v59, v60;
	v20 =	vadd.f32 v18, v15;
	v15 =	vand.u32 $0x7FFFFFFF, v17  }
0xd4: {  	s20 =	sand.u32 $0x300, s18;
	s19 =	sand.u32 $0x7800, s17;
	v21 =	vsub.f32 v55, v51;
	v26 =	vld [tilespmem:s14+$0xFFFFFF80];
	v16 =	vadd.f32 v15, v16  }
0xd5: {  	s21 =	sor.u32 s20, s19;
	v36 =	vld [tilespmem:s16+$0xFFFFFFA0];
	v22 =	vsub.f32 v41, v48;
	v19 =	vsub.f32 v57, v58;
	v25 =	vperm.xlane v20, v4  }
0xd6: {  	s22 =	simm.s32 $0x180;
	s20 =	sadd.s32 $0x100, s17;
	v10 =	vimm.f32 $0.0e+00;
	v17 =	vmov s15;
	v15 =	vld [tilespmem:s21+$0x8600];
	v28 =	vperm.xlane v16, v4  }
0xd7: {  	s19 =	sand.u32 $0x380, s22;
	s22 =	simm.s32 $0x1;
	v41 =	vld [tilespmem:s16+$0x0];
	v18 =	vsub.f32 v52, v50;
	s15 =	sand.u32 $0x7800, s20;
	vm1 =	veq.s32 v17, v0;
	v27 =	vadd.f32 v20, v25  }
0xd8: {  	v17 =	vld [tilespmem:s21+$0x8610];
	s20 =	sor.u32 s19, s15;
	v20 =	vsub.f32 v24, v61;
	v25 =	vmov s22;
	v28 =	vadd.f32 v16, v28  }
0xd9: {  	s15 =	simm.s32 $0x2;
	s19 =	simm.s32 $0x4;
	v24 =	vsub.f32 v26, v63;
	v26 =	vsub.f32 v62, v29;
	v16 =	vld [tilespmem:s20+$0x8600];
	v29 =	vperm.xlane v27, v5  }
.LBB2_3:
0xda: {  	p0 =	slt.u32 s19, $0xE;
	v32 =	vld [tilespmem:s21+$0x8620];
	v37 =	vsub.f32 v34, v36;
	v31 =	vsub.f32 v30, v31;
	v36 =	vperm.xlane v28, v5  }
0xdb: {  	v38 =	vsub.f32 v38, v39;
	v42 =	vmul.f32 v15, v24;
	v30 =	vld [tilespmem:s20+$0x8610];
	v39 =	vadd.f32 v27, v29  }
0xdc: {  	vm2 =	veq.s32 v25, v0;
	v34 =	vld [tilespmem:s21+$0x8630];
	v29 =	vsub.f32 v40, v41;
	v40 =	vadd.f32 v28, v36  }
0xdd: {  	v27 =	vadd.f32 $0.0e+00, v42;
	v41 =	vmul.f32 v17, v38;
	v25 =	vld [tilespmem:s20+$0x8620];
	v42 =	vperm.xlane v39, v6  }
0xde: {  	v28 =	vsub.f32 v33, v35;
	v36 =	vld [tilespmem:s21+$0x8640];
	v43 =	vmul.f32 v16, v29;
	v33 =	vperm.xlane v40, v6  }
0xdf: {  	v35 =	vadd.f32 v41, v27;
	v41 =	vmul.f32 v32, v37;
	v27 =	vld [tilespmem:s20+$0x8630];
	v42 =	vadd.f32 v39, v42  }
0xe0: {  	v39 =	vld [tilespmem:s21+$0x8650];
	v43 =	vadd.f32 $0.0e+00, v43;
	v44 =	vmul.f32 v30, v28;
	v40 =	vadd.f32 v40, v33  }
0xe1: {  	v35 =	vadd.f32 v41, v35;
	v41 =	vmul.f32 v34, v26;
	v33 =	vld [tilespmem:s20+$0x8640];
	v45 =	vperm.xlane v42, v7  }
0xe2: {  	v46 =	vld [tilespmem:s21+$0x8660];
	v43 =	vadd.f32 v44, v43;
	v44 =	vmul.f32 v25, v31;
	v47 =	vperm.xlane v40, v7  }
0xe3: {  	v41 =	vadd.f32 v41, v35;
	v48 =	vmul.f32 v36, v23;
	v35 =	vld [tilespmem:s20+$0x8650];
	v42 =	vadd.f32 v42, v45  }
0xe4: {  	v45 =	vld [tilespmem:s21+$0x8670];
	v43 =	vadd.f32 v44, v43;
	v44 =	vmul.f32 v27, v20;
	v40 =	vadd.f32 v40, v47  }
0xe5: {  	s14 =	sadd.s32 $0x100, s14;
	v41 =	vadd.f32 v48, v41;
	v47 =	vmul.f32 v39, v22;
	v48 =	vld [tilespmem:s20+$0x8660];
	v10 =	vsel vm1, v42, v10  }
0xe6: {  	v42 =	vld [tilespmem:s14+$0x70];
	v43 =	vadd.f32 v44, v43;
	v44 =	vmul.f32 v33, v19;
	v10 =	vsel vm2, v40, v10  }
0xe7: {  	s16 =	sadd.s32 $0x100, s16;
	v40 =	vadd.f32 v47, v41;
	v41 =	vmul.f32 v46, v21;
	v47 =	vsub.f32 v11, v13;
	v49 =	vld [tilespmem:s20+$0x8670]  }
0xe8: {  	v51 =	vsub.f32 v12, v14;
	v50 =	vld [tilespmem:s16+$0x70];
	v43 =	vadd.f32 v44, v43;
	v44 =	vmul.f32 v35, v18  }
0xe9: {  	v11 =	vld [tilespmem:s14+$0xFFFFFFF0];
	v14 =	vadd.f32 v41, v40;
	v40 =	vmul.f32 v45, v47  }
0xea: {  	v13 =	vld [tilespmem:s16+$0xFFFFFFF0];
	v41 =	vadd.f32 v44, v43;
	v43 =	vmul.f32 v48, v51;
	v44 =	vsub.f32 v8, v9  }
0xeb: {  	v12 =	vld [tilespmem:s14+$0x60];
	v40 =	vadd.f32 v40, v14;
	v8 =	vmov v42  }
0xec: {  	v14 =	vld [tilespmem:s16+$0x60];
	v41 =	vadd.f32 v43, v41;
	v42 =	vmul.f32 v49, v44  }
0xed: {  	v43 =	vperm.xlane v40, v4;
	v52 =	vld [tilespmem:s21+$0x8270];
	v9 =	vmov v50  }
0xee: {  	v50 =	vld [tilespmem:s21+$0x8260];
	v41 =	vadd.f32 v42, v41  }
0xef: {  	v40 =	vadd.f32 v40, v43;
	v42 =	vld [tilespmem:s21+$0x8250]  }
0xf0: {  	v43 =	vld [tilespmem:s21+$0x8240];
	v53 =	vperm.xlane v41, v4  }
0xf1: {  	v54 =	vperm.xlane v40, v5;
	v55 =	vld [tilespmem:s21+$0x8230]  }
0xf2: {  	v56 =	vld [tilespmem:s21+$0x8220];
	v41 =	vadd.f32 v41, v53  }
0xf3: {  	v53 =	vadd.f32 v40, v54;
	v54 =	vld [tilespmem:s21+$0x8200]  }
0xf4: {  	v57 =	vld [tilespmem:s21+$0x8210];
	v58 =	vperm.xlane v41, v5  }
0xf5: {  	v40 =	vadd.f32 v52, v47;
	v59 =	vperm.xlane v53, v6;
	v47 =	vld [tilespmem:s20+$0x8270]  }
0xf6: {  	v50 =	vadd.f32 v50, v21;
	v41 =	vadd.f32 v41, v58;
	v52 =	vld [tilespmem:s20+$0x8260]  }
0xf7: {  	v22 =	vadd.f32 v42, v22;
	v53 =	vadd.f32 v53, v59;
	v42 =	vld [tilespmem:s20+$0x8250]  }
0xf8: {  	v23 =	vadd.f32 v43, v23;
	v26 =	vadd.f32 v55, v26;
	v43 =	vperm.xlane v41, v6;
	v55 =	vld [tilespmem:s20+$0x8240]  }
0xf9: {  	v37 =	vadd.f32 v56, v37;
	v24 =	vadd.f32 v54, v24;
	v58 =	vperm.xlane v53, v7;
	v54 =	vld [tilespmem:s20+$0x8230]  }
0xfa: {  	v38 =	vadd.f32 v57, v38;
	v21 =	vld [tilespmem:s14+$0xFFFFFFE0];
	v41 =	vadd.f32 v41, v43  }
0xfb: {  	v44 =	vadd.f32 v47, v44;
	v43 =	vadd.f32 v53, v58;
	v53 =	vld [tilespmem:s20+$0x8220]  }
0xfc: {  	v47 =	vperm.xlane v41, v7;
	v56 =	vld [tilespmem:s20+$0x8200];
	v18 =	vadd.f32 v42, v18;
	v42 =	vadd.f32 v52, v51  }
0xfd: {  	v46 =	vmul.f32 v43, v46;
	v45 =	vmul.f32 v43, v45;
	v51 =	vld [tilespmem:s20+$0x8210];
	v19 =	vadd.f32 v55, v19  }
0xfe: {  	v36 =	vmul.f32 v43, v36;
	v39 =	vmul.f32 v43, v39;
	v52 =	vld [tilespmem:s16+$0xFFFFFFE0];
	v20 =	vadd.f32 v54, v20  }
0xff: {  	v32 =	vmul.f32 v43, v32;
	v34 =	vmul.f32 v43, v34;
	v41 =	vadd.f32 v41, v47;
	v54 =	vld [tilespmem:s14+$0x50]  }
0x100: {  	v15 =	vmul.f32 v43, v15;
	v17 =	vmul.f32 v43, v17;
	v47 =	vld [tilespmem:s16+$0x50];
	v31 =	vadd.f32 v53, v31  }
0x101: {  	v48 =	vmul.f32 v41, v48;
	v49 =	vmul.f32 v41, v49;
	v43 =	vld [tilespmem:s14+$0xFFFFFFD0];
	v29 =	vadd.f32 v56, v29  }
0x102: {  	v33 =	vmul.f32 v41, v33;
	v35 =	vmul.f32 v41, v35;
	v53 =	vld [tilespmem:s16+$0xFFFFFFD0];
	v28 =	vadd.f32 v51, v28  }
0x103: {  	v32 =	vsub.f32 v37, v32;
	v16 =	vmul.f32 v41, v16;
	v30 =	vmul.f32 v41, v30;
	v51 =	vld [tilespmem:s14+$0x40]  }
0x104: {  	v15 =	vsub.f32 v24, v15;
	v17 =	vsub.f32 v38, v17;
	v24 =	vmul.f32 v41, v25;
	v37 =	vld [tilespmem:s16+$0x40]  }
0x105: {  	v27 =	vmul.f32 v41, v27;
	v16 =	vsub.f32 v29, v16;
	v28 =	vsub.f32 v28, v30;
	v25 =	vld [tilespmem:s14+$0xFFFFFFC0]  }
0x106: {  	v15 =	vand.u32 $0x7FFFFFFF, v15;
	v17 =	vand.u32 $0x7FFFFFFF, v17;
	v24 =	vsub.f32 v31, v24;
	v29 =	vld [tilespmem:s16+$0xFFFFFFC0]  }
0x107: {  	v15 =	vadd.f32 v17, v15;
	v16 =	vand.u32 $0x7FFFFFFF, v16;
	v17 =	vand.u32 $0x7FFFFFFF, v28;
	v55 =	vld [tilespmem:s14+$0x30]  }
0x108: {  	v26 =	vsub.f32 v26, v34;
	v30 =	vand.u32 $0x7FFFFFFF, v32;
	v16 =	vadd.f32 v17, v16;
	v28 =	vld [tilespmem:s16+$0x30]  }
0x109: {  	v20 =	vsub.f32 v20, v27;
	v15 =	vadd.f32 v30, v15;
	v17 =	vand.u32 $0x7FFFFFFF, v24;
	v32 =	vld [tilespmem:s14+$0xFFFFFFB0]  }
0x10a: {  	v23 =	vsub.f32 v23, v36;
	v24 =	vand.u32 $0x7FFFFFFF, v26;
	v16 =	vadd.f32 v17, v16;
	v56 =	vld [tilespmem:s16+$0xFFFFFFB0]  }
0x10b: {  	v19 =	vsub.f32 v19, v33;
	v15 =	vadd.f32 v24, v15;
	v17 =	vand.u32 $0x7FFFFFFF, v20;
	v30 =	vld [tilespmem:s14+$0x20]  }
0x10c: {  	v22 =	vsub.f32 v22, v39;
	v20 =	vand.u32 $0x7FFFFFFF, v23;
	v16 =	vadd.f32 v17, v16;
	v31 =	vld [tilespmem:s16+$0x20]  }
0x10d: {  	v18 =	vsub.f32 v18, v35;
	v15 =	vadd.f32 v20, v15;
	v17 =	vand.u32 $0x7FFFFFFF, v19;
	v34 =	vld [tilespmem:s14+$0xFFFFFFA0]  }
0x10e: {  	v20 =	vsub.f32 v50, v46;
	v19 =	vand.u32 $0x7FFFFFFF, v22;
	v16 =	vadd.f32 v17, v16;
	v36 =	vld [tilespmem:s16+$0xFFFFFFA0]  }
0x10f: {  	v15 =	vadd.f32 v19, v15;
	v17 =	vand.u32 $0x7FFFFFFF, v18;
	v18 =	vsub.f32 v42, v48;
	v33 =	vld [tilespmem:s14+$0x10]  }
0x110: {  	v19 =	vand.u32 $0x7FFFFFFF, v20;
	v20 =	vsub.f32 v40, v45;
	v16 =	vadd.f32 v17, v16;
	v35 =	vld [tilespmem:s16+$0x10]  }
0x111: {  	v15 =	vadd.f32 v19, v15;
	v17 =	vand.u32 $0x7FFFFFFF, v18;
	v18 =	vsub.f32 v44, v49;
	v38 =	vld [tilespmem:s14+$0xFFFFFF90]  }
0x112: {  	v19 =	vand.u32 $0x7FFFFFFF, v20;
	v16 =	vadd.f32 v17, v16;
	v39 =	vld [tilespmem:s16+$0xFFFFFF90]  }
0x113: {  	s17 =	sadd.s32 $0x200, s17;
	s18 =	sadd.s32 $0x100, s18;
	v17 =	vadd.f32 v19, v15;
	v15 =	vand.u32 $0x7FFFFFFF, v18;
	v24 =	vld [tilespmem:s14+$0xFFFFFF80]  }
0x114: {  	s21 =	sand.u32 $0x300, s18;
	s20 =	sand.u32 $0x7800, s17;
	v20 =	vmov s15;
	v16 =	vadd.f32 v15, v16;
	v26 =	vld [tilespmem:s16+$0xFFFFFF80]  }
.Ltmp0:
0x115: {  	s21 =	sor.u32 s21, s20;
	v21 =	vsub.f32 v21, v52;
	v18 =	vsub.f32 v54, v47;
	v27 =	vperm.xlane v17, v4;
	v40 =	vld [tilespmem:s14+$0x0];
	(pc) =	sbr.rel @p0 .LBB2_3-.Ltmp0, $4  }
0x116: {  	s22 =	sadd.s32 $0x80, s18;
	s20 =	sadd.s32 $0x100, s17;
	v22 =	vsub.f32 v43, v53;
	v19 =	vsub.f32 v51, v37;
	v37 =	vperm.xlane v16, v4;
	v15 =	vld [tilespmem:s21+$0x8600]  }
0x117: {  	s22 =	sand.u32 $0x380, s22;
	s20 =	sand.u32 $0x7800, s20;
	v23 =	vsub.f32 v25, v29;
	s15 =	sadd.s32 $0x1, s15;
	vm1 =	veq.s32 v20, v0;
	v27 =	vadd.f32 v17, v27;
	v41 =	vld [tilespmem:s16+$0x0]  }
0x118: {  	s20 =	sor.u32 s22, s20;
	v20 =	vsub.f32 v55, v28;
	v25 =	vmov s15;
	s15 =	smov.u32 s19;
	v28 =	vadd.f32 v16, v37;
	v17 =	vld [tilespmem:s21+$0x8610]  }
0x119: {  	s19 =	sadd.s32 $0x2, s19;
	v29 =	vperm.xlane v27, v5;
	v24 =	vsub.f32 v24, v26;
	v26 =	vsub.f32 v32, v56;
	v16 =	vld [tilespmem:s20+$0x8600]  }
0x11a: {  	v32 =	vld [tilespmem:s21+$0x8620]  }
0x11b: {  	v38 =	vsub.f32 v38, v39;
	v39 =	vld [tilespmem:s20+$0x8610];
	v37 =	vmul.f32 v15, v24  }
0x11c: {  	v42 =	vld [tilespmem:s21+$0x8630];
	v34 =	vsub.f32 v34, v36  }
0x11d: {  	v43 =	vld [tilespmem:s21+$0x8640];
	v40 =	vsub.f32 v40, v41;
	v55 =	vadd.f32 $0.0e+00, v37;
	v56 =	vmul.f32 v17, v38  }
0x11e: {  	v33 =	vsub.f32 v33, v35;
	v30 =	vsub.f32 v30, v31;
	v41 =	vld [tilespmem:s20+$0x8620]  }
0x11f: {  	v31 =	vld [tilespmem:s21+$0x8650];
	v44 =	vmul.f32 v16, v40;
	v57 =	vadd.f32 v56, v55;
	v58 =	vmul.f32 v32, v34  }
0x120: {  	v37 =	vld [tilespmem:s20+$0x8630];
	v45 =	vmul.f32 v39, v33  }
0x121: {  	v46 =	vld [tilespmem:s20+$0x8640];
	v59 =	vmul.f32 v42, v26;
	v44 =	vadd.f32 $0.0e+00, v44;
	v35 =	vadd.f32 v58, v57  }
0x122: {  	v47 =	vld [tilespmem:s21+$0x8660];
	v61 =	vmul.f32 v43, v23  }
0x123: {  	v48 =	vld [tilespmem:s20+$0x8650];
	v60 =	vmul.f32 v41, v30;
	v44 =	vadd.f32 v45, v44;
	v35 =	vadd.f32 v59, v35  }
0x124: {  	v49 =	vld [tilespmem:s21+$0x8670];
	v63 =	vmul.f32 v31, v22  }
0x125: {  	v62 =	vmul.f32 v37, v20;
	v44 =	vadd.f32 v60, v44;
	v35 =	vadd.f32 v61, v35  }
0x126: {  	v50 =	vld [tilespmem:s20+$0x8660];
	v11 =	vsub.f32 v11, v13;
	v51 =	vmul.f32 v46, v19  }
0x127: {  	v52 =	vmul.f32 v47, v21;
	v44 =	vadd.f32 v62, v44;
	v35 =	vadd.f32 v63, v35  }
0x128: {  	v13 =	vld [tilespmem:s20+$0x8670];
	v12 =	vsub.f32 v12, v14;
	v53 =	vmul.f32 v48, v18  }
0x129: {  	v55 =	vmul.f32 v49, v11;
	v44 =	vadd.f32 v51, v44;
	v54 =	vadd.f32 v52, v35  }
0x12a: {  	v8 =	vsub.f32 v8, v9  }
0x12b: {  	v57 =	vmul.f32 v50, v12;
	v45 =	vld [tilespmem:s21+$0x8260];
	v56 =	vadd.f32 v53, v44;
	v58 =	vadd.f32 v55, v54;
	_ =	sdelay $0x1  }
0x12c: {  	v60 =	vmul.f32 v13, v8;
	v62 =	vld [tilespmem:s21+$0x8270];
	v59 =	vadd.f32 v57, v56;
	v61 =	vperm.xlane v58, v4  }
0x12d: {  	v36 =	vld [tilespmem:s21+$0x8240]  }
0x12e: {  	v63 =	vld [tilespmem:s21+$0x8250];
	v14 =	vadd.f32 v60, v59;
	v9 =	vadd.f32 v58, v61  }
0x12f: {  	v21 =	vadd.f32 v45, v21;
	v45 =	vld [tilespmem:s20+$0x8260]  }
0x130: {  	v53 =	vld [tilespmem:s21+$0x8230];
	v51 =	vperm.xlane v14, v4;
	v52 =	vperm.xlane v9, v5  }
0x131: {  	v54 =	vld [tilespmem:s21+$0x8220];
	v11 =	vadd.f32 v62, v11  }
0x132: {  	v62 =	vld [tilespmem:s20+$0x8270];
	v14 =	vadd.f32 v14, v51;
	v9 =	vadd.f32 v9, v52  }
0x133: {  	v22 =	vadd.f32 v63, v22;
	v63 =	vld [tilespmem:s20+$0x8250]  }
0x134: {  	v60 =	vld [tilespmem:s21+$0x8200];
	v55 =	vperm.xlane v14, v5;
	v56 =	vperm.xlane v9, v6  }
0x135: {  	v23 =	vadd.f32 v36, v23;
	v12 =	vadd.f32 v45, v12;
	v61 =	vld [tilespmem:s21+$0x8210]  }
0x136: {  	v58 =	vld [tilespmem:s20+$0x8240];
	v14 =	vadd.f32 v14, v55;
	v9 =	vadd.f32 v9, v56  }
0x137: {  	v26 =	vadd.f32 v53, v26;
	v53 =	vld [tilespmem:s20+$0x8210];
	v34 =	vadd.f32 v54, v34  }
0x138: {  	v18 =	vadd.f32 v63, v18;
	v63 =	vld [tilespmem:s20+$0x8200];
	v57 =	vperm.xlane v14, v6;
	v59 =	vperm.xlane v9, v7  }
0x139: {  	v8 =	vadd.f32 v62, v8;
	v24 =	vadd.f32 v60, v24  }
0x13a: {  	v60 =	vld [tilespmem:s20+$0x8230];
	v14 =	vadd.f32 v14, v57;
	v9 =	vadd.f32 v9, v59  }
0x13b: {  	v38 =	vadd.f32 v61, v38;
	v61 =	vld [tilespmem:s20+$0x8220];
	v52 =	vadd.f32 v58, v19  }
0x13c: {  	v33 =	vadd.f32 v53, v33;
	v62 =	vperm.xlane v14, v7;
	v45 =	vmul.f32 v9, v47  }
0x13d: {  	v58 =	vadd.f32 v63, v40;
	v47 =	vmul.f32 v9, v49;
	v43 =	vmul.f32 v9, v43  }
0x13e: {  	v31 =	vmul.f32 v9, v31;
	v32 =	vmul.f32 v9, v32;
	v14 =	vadd.f32 v14, v62  }
0x13f: {  	v55 =	vadd.f32 v60, v20;
	v42 =	vmul.f32 v9, v42;
	v56 =	vmul.f32 v9, v15  }
0x140: {  	v57 =	vadd.f32 v61, v30;
	v9 =	vmul.f32 v9, v17;
	v35 =	vmul.f32 v14, v50  }
0x141: {  	v32 =	vsub.f32 v34, v32;
	v13 =	vmul.f32 v14, v13;
	v59 =	vmul.f32 v14, v46  }
0x142: {  	v15 =	vsub.f32 v24, v56;
	v61 =	vmul.f32 v14, v16;
	v62 =	vmul.f32 v14, v39  }
0x143: {  	v9 =	vsub.f32 v38, v9;
	v60 =	vmul.f32 v14, v48;
	v63 =	vmul.f32 v14, v41  }
0x144: {  	v14 =	vmul.f32 v14, v37;
	v16 =	vsub.f32 v58, v61;
	v33 =	vsub.f32 v33, v62  }
0x145: {  	v15 =	vand.u32 $0x7FFFFFFF, v15;
	v9 =	vand.u32 $0x7FFFFFFF, v9;
	v17 =	vsub.f32 v57, v63  }
0x146: {  	v9 =	vadd.f32 v9, v15;
	v34 =	vand.u32 $0x7FFFFFFF, v16;
	v37 =	vand.u32 $0x7FFFFFFF, v33  }
0x147: {  	v26 =	vsub.f32 v26, v42;
	v38 =	vand.u32 $0x7FFFFFFF, v32;
	v15 =	vadd.f32 v37, v34  }
0x148: {  	v14 =	vsub.f32 v55, v14;
	v9 =	vadd.f32 v38, v9;
	v39 =	vand.u32 $0x7FFFFFFF, v17  }
0x149: {  	v42 =	vsub.f32 v23, v43;
	v41 =	vand.u32 $0x7FFFFFFF, v26;
	v15 =	vadd.f32 v39, v15  }
0x14a: {  	v43 =	vsub.f32 v52, v59;
	v14 =	vand.u32 $0x7FFFFFFF, v14;
	v9 =	vadd.f32 v41, v9  }
0x14b: {  	v46 =	vsub.f32 v22, v31;
	v44 =	vand.u32 $0x7FFFFFFF, v42;
	v14 =	vadd.f32 v14, v15  }
0x14c: {  	v49 =	vsub.f32 v18, v60;
	v48 =	vand.u32 $0x7FFFFFFF, v43;
	v9 =	vadd.f32 v44, v9  }
0x14d: {  	v51 =	vsub.f32 v21, v45;
	v50 =	vand.u32 $0x7FFFFFFF, v46;
	v14 =	vadd.f32 v48, v14  }
0x14e: {  	v12 =	vsub.f32 v12, v35;
	v52 =	vand.u32 $0x7FFFFFFF, v49;
	v9 =	vadd.f32 v50, v9  }
0x14f: {  	v11 =	vsub.f32 v11, v47;
	v53 =	vand.u32 $0x7FFFFFFF, v51;
	v14 =	vadd.f32 v52, v14  }
0x150: {  	v8 =	vsub.f32 v8, v13;
	v12 =	vand.u32 $0x7FFFFFFF, v12;
	v9 =	vadd.f32 v53, v9  }
0x151: {  	v11 =	vand.u32 $0x7FFFFFFF, v11;
	v12 =	vadd.f32 v12, v14  }
0x152: {  	v8 =	vand.u32 $0x7FFFFFFF, v8;
	v9 =	vadd.f32 v11, v9  }
0x153: {  	v8 =	vadd.f32 v8, v12  }
0x154: {  	v11 =	vperm.xlane v9, v4  }
0x155: {  	v12 =	vperm.xlane v8, v4  }
0x156: {  	v9 =	vadd.f32 v9, v11  }
0x157: {  	v54 =	vperm.xlane v28, v5;
	v8 =	vadd.f32 v8, v12  }
0x158: {  	v55 =	vadd.f32 v27, v29;
	v57 =	vperm.xlane v9, v5  }
0x159: {  	v56 =	vadd.f32 v28, v54;
	v59 =	vperm.xlane v8, v5  }
0x15a: {  	v58 =	vperm.xlane v55, v6;
	v9 =	vadd.f32 v9, v57  }
0x15b: {  	v60 =	vperm.xlane v56, v6;
	v8 =	vadd.f32 v8, v59  }
0x15c: {  	v11 =	vadd.f32 v55, v58;
	v13 =	vperm.xlane v9, v6  }
0x15d: {  	v12 =	vadd.f32 v56, v60;
	v15 =	vperm.xlane v8, v6  }
0x15e: {  	v14 =	vperm.xlane v11, v7;
	v9 =	vadd.f32 v9, v13  }
0x15f: {  	v16 =	vperm.xlane v12, v7;
	v8 =	vadd.f32 v8, v15  }
0x160: {  	vm2 =	veq.s32 v25, v0;
	s22 =	sshll.u32 s13, $0x4;
	s13 =	sadd.s32 $0x1, s13;
	v11 =	vadd.f32 v11, v14;
	v13 =	vperm.xlane v9, v7  }
0x161: {  	s14 =	sadd.s32 $0x1, s15;
	p0 =	sne.s32 s13, $0x8;
	v62 =	vmov s15;
	v12 =	vadd.f32 v12, v16;
	v61 =	vperm.xlane v8, v7  }
.Ltmp1:
0x162: {  	v63 =	vmov s14;
	v10 =	vsel vm1, v11, v10;
	v9 =	vadd.f32 v9, v13;
	(pc) =	sbr.rel @p0 .LBB2_2-.Ltmp1, $4  }
0x163: {  	vm1 =	veq.s32 v62, v0;
	v10 =	vsel vm2, v12, v10;
	v8 =	vadd.f32 v8, v61  }
0x164: {  	vm2 =	veq.s32 v63, v0;
	v9 =	vsel vm1, v9, v10  }
0x165: {  	s14 =	sand.u32 $0x3FFFFFF0, s22;
	v8 =	vsel vm2, v8, v9  }
0x166: {  	s12 =	sadd.s32 $0x1000, s12;
	s2 =	sadd.s32 $0x800, s2;
	s9 =	sadd.s32 $0x800, s9;
	[tilespmem:s14+$0x10200] =	vst v8  }
0x167: {  	s0 =	sadd.s32 $0x1, s0  }
0x168: {  	p0 =	sne.s32 s0, s7  }
.Ltmp2:
0x169: {  	_ = 	snop;
	(pc) =	sbr.rel @p0 .LBB2_1-.Ltmp2, $4  }
0x16a: {  	[hbm4b:s6+s3] =	stream.linear.scatter [tilespmem:s31], [sflag:$0x2], $0x80, $0x38;
	[tilespmem:$0x10280] =	vst v63  }
0x16b: {  	_ =	swait.ge [sflag:s10], $0x80  }
0x16c: {  	[sflag:s10] =	ssyncset.done $0x0  }
0x16d: {  	[sflag:s10] =	ssyncadd.s32 $0xFFFFFF80  }
0x16e: {  	_ =	sfence.sel $0x180000  }
0x16f: {  	[bflag:$0x0] =	sbarrier.arrive $0xFFFF  }
0x170: {  	_ =	strace $0x90000047  }
0x171: {  	s0 =	stileid.u32;
	[bflag:$0x2] =	sbarrier.arrive $0xFFFF  }
0x172: {  	p0 =	sne.s32 s0, $0x0;
	s0 =	rddreg [dreg:$0x3]  }
0x173: {  	s0 =	sadd.s32 @!p0 $0x100000, s0  }
0x174: {  	[sflag:s0] =	ssyncadd.tile.s32 @!p0 $0x1;
	_ =	shalt  }
.Lfunc_end2:
_tile_overlayer_lowered:
.L_overlay_start_2:
0x175: {  	(tag) =	ssettag $0x2  }
0x176: {  	s0 =	rddreg [dreg:$0x0];
	s2 =	stileid.u32  }
0x177: {  	s1 =	rddreg [dreg:$0x1];
	p0 =	sne.s32 s2, $0x0  }
0x178: {  	s3 =	rddreg [dreg:$0x2];
	[bflag:$0x3] =	sbarrier.arrive $0xFFFF;
	s2 =	simm.s32 @!p0 $0x1C02  }
0x179: {  	[timem:s3], [sflag:s2] =	dma.local @!p0 [hbm:s0], s1  }
0x17a: {  	s0 =	simm.s32 @!p0 $0x2  }
0x17b: {  	_ =	swait.ge @!p0 [sflag:s0], s1  }
0x17c: {  	s1 =	ssub.s32 @!p0 $0x0, s1;
	[sflag:s0] =	ssyncset.done @!p0 $0x0  }
0x17d: {  	[sflag:s0] =	ssyncadd.s32 @!p0 s1  }
0x17e: {  	[bflag:$0x3] =	sbarrier.arrive $0xFFFF  }
0x17f: {  	_ =	shalt  }

</sc_bundles>
